<compile_context>
chip_gen: v7x
topology: tpu7x:2x2x1
jax: 0.10.2.dev20260603
libtpu: 0.0.44.dev20260713+nightly
codegen_flags: <defaults>
</compile_context>

<pallas_src>
import functools

import numpy as np
import jax
import jax.numpy as jnp
from jax import lax
from jax.experimental import pallas as pl
from jax.experimental.pallas import tpu as pltpu
from jax.experimental.pallas import tpu_sc as plsc

N = 1024
E = 16384
D = 128
M = 32
MAXN = 30
KNEI = 5
BIG = 1e9

NC = 2
NS = 16
NW = NC * NS
RW = N // NW

_ORDER_NP = None


def _threefry2x32(k0, k1, x0, x1):
    def rotl(x, r):
        return ((x << np.uint32(r)) | (x >> np.uint32(32 - r))).astype(np.uint32)

    ks = [np.uint32(k0), np.uint32(k1),
          np.uint32(k0 ^ k1 ^ np.uint32(0x1BD11BDA))]
    rotations = [[13, 15, 26, 6], [17, 29, 16, 24]]
    x0 = (x0 + ks[0]).astype(np.uint32)
    x1 = (x1 + ks[1]).astype(np.uint32)
    for i in range(5):
        for r in rotations[i % 2]:
            x0 = (x0 + x1).astype(np.uint32)
            x1 = rotl(x1, r)
            x1 = x1 ^ x0
        x0 = (x0 + ks[(i + 1) % 3]).astype(np.uint32)
        x1 = (x1 + ks[(i + 2) % 3] + np.uint32(i + 1)).astype(np.uint32)
    return x0, x1


def _uniform_scores():
    size = N * N
    with np.errstate(over="ignore"):
        cnt = np.arange(size, dtype=np.uint32)
        h0, h1 = _threefry2x32(0, 42, np.zeros(size, np.uint32), cnt)
    bits = h0 ^ h1
    fl = ((bits >> np.uint32(9)) | np.uint32(0x3F800000)).view(np.float32)
    u = np.maximum(np.float32(0.0), fl - np.float32(1.0))
    return u.reshape(N, N)


def _get_order():
    global _ORDER_NP
    if _ORDER_NP is None:
        scores = _uniform_scores()
        np.fill_diagonal(scores, np.inf)
        _ORDER_NP = np.argsort(-scores, axis=1, kind="stable").astype(np.int32)
    return _ORDER_NP


def _adj_body(edges_hbm, zero_hbm, a_hbm, ebuf, arow):
    c = lax.axis_index("c")
    s = lax.axis_index("s")
    wid = s * NC + c
    base = wid * RW

    pltpu.sync_copy(zero_hbm, arow)
    pltpu.sync_copy(edges_hbm, ebuf)

    onesf = jnp.full((16,), 1.0, jnp.float32)

    @plsc.parallel_loop(0, E // 16, step=1, unroll=4)
    def ebody(i):
        aa = ebuf[pl.ds(i * 16, 16)]
        bb = ebuf[pl.ds(E + i * 16, 16)]
        ra = aa - base
        ma = (ra >= 0) & (ra < RW)
        ra_c = jnp.where(ma, ra, 0)
        plsc.store_scatter(arow, [ra_c, bb], onesf, mask=ma)
        rb = bb - base
        mb = (rb >= 0) & (rb < RW)
        rb_c = jnp.where(mb, rb, 0)
        plsc.store_scatter(arow, [rb_c, aa], onesf, mask=mb)

    iota16 = lax.iota(jnp.int32, 16)
    for ch in range(RW // 16):
        rv = iota16 + ch * 16
        plsc.store_scatter(arow, [rv, base + rv], onesf)

    pltpu.sync_copy(arow, a_hbm.at[pl.ds(base, RW)])


def _build_adj(edge_index):
    mesh = plsc.VectorSubcoreMesh(core_axis_name="c", subcore_axis_name="s")
    zero = jnp.zeros((RW, N), jnp.float32)
    kfn = functools.partial(
        pl.kernel,
        mesh=mesh,
        compiler_params=pltpu.CompilerParams(needs_layout_passes=False),
        out_type=jax.ShapeDtypeStruct((N, N), jnp.float32),
        scratch_types=[
            pltpu.VMEM((2 * E,), jnp.int32),
            pltpu.VMEM((RW, N), jnp.float32),
        ],
    )(_adj_body)
    return kfn(edge_index.reshape(2 * E), zero)


def _mask_body(a_ref, m_ref):
    ab = a_ref[...].astype(jnp.bfloat16)
    cmat = lax.dot_general(ab, ab, (((1,), (0,)), ((), ())),
                           preferred_element_type=jnp.float32)
    m_ref[...] = (cmat > 0.0).astype(jnp.float32)


def _mask_tc(a):
    return pl.pallas_call(
        _mask_body,
        out_shape=jax.ShapeDtypeStruct((N, N), jnp.float32),
    )(a)


_GB = 8
NH = N // 2
RWH = NH // NW


def _make_select_body(h):
    def _select_body(order_hbm, mask_hbm, h_hbm, hl_hbm, scnt_hbm,
                     morow, orow, idxb, scntv, grow, gsem):
        c = lax.axis_index("c")
        s = lax.axis_index("s")
        wid = s * NC + c
        obase = wid * RWH
        base = h * NH + obase

        pltpu.sync_copy(mask_hbm.at[pl.ds(base, RWH)], morow)
        pltpu.sync_copy(order_hbm.at[pl.ds(base * N, RWH * N)], orow)

        iota16 = lax.iota(jnp.int32, 16)
        lane0 = iota16 == 0

        def row_body(r, carry):
            selfv = jnp.broadcast_to(base + r, (16,)).astype(jnp.int32)
            idxb[pl.ds(r * M, 16)] = selfv
            idxb[pl.ds(r * M + 16, 16)] = selfv

            def chunk_cond(carry):
                k, found = carry
                return (k < N // 16) & (found < MAXN)

            def chunk_body(carry):
                k, found = carry
                ordv = orow[pl.ds(r * N + k * 16, 16)]
                rsp = jnp.broadcast_to(r, (16,)).astype(jnp.int32)
                mp = plsc.load_gather(morow, [rsp, ordv])
                mb = mp > 0.0
                cs = plsc.cumsum(mb.astype(jnp.int32))
                sel = mb & ((found + cs) <= MAXN)
                plsc.store_compressed(idxb.at[pl.ds(r * M + found, 16)], ordv,
                                      mask=sel)
                return k + 1, found + jnp.sum(sel.astype(jnp.int32))

            _, found = lax.while_loop(chunk_cond, chunk_body,
                                      (jnp.int32(0), jnp.int32(0)))
            rsp = jnp.broadcast_to(r, (16,)).astype(jnp.int32)
            fsp = jnp.broadcast_to(found, (16,)).astype(jnp.int32)
            plsc.store_scatter(scntv, [rsp], fsp, mask=lane0)
            return carry

        nb = RWH // _GB
        gd = [None] * nb
        for b in range(nb):
            lax.fori_loop(b * _GB, (b + 1) * _GB, row_body, 0)
            if b >= 1:
                gd[b - 1].wait()
                pltpu.sync_copy(
                    grow,
                    hl_hbm.at[pl.ds((obase + (b - 1) * _GB) * M, _GB * M)])
            gd[b] = pltpu.async_copy(
                h_hbm.at[idxb.at[pl.ds(b * _GB * M, _GB * M)]], grow, gsem)
        gd[nb - 1].wait()
        pltpu.sync_copy(
            grow, hl_hbm.at[pl.ds((obase + (nb - 1) * _GB) * M, _GB * M)])

        pltpu.sync_copy(scntv, scnt_hbm.at[pl.ds(obase, RWH)])

    return _select_body


def _select_gather(order, maskf, H, h):
    mesh = plsc.VectorSubcoreMesh(core_axis_name="c", subcore_axis_name="s")
    kfn = functools.partial(
        pl.kernel,
        mesh=mesh,
        compiler_params=pltpu.CompilerParams(needs_layout_passes=False),
        out_type=(
            jax.ShapeDtypeStruct((NH * M, D), jnp.float32),
            jax.ShapeDtypeStruct((NH,), jnp.int32),
        ),
        scratch_types=[
            pltpu.VMEM((RWH, N), jnp.float32),
            pltpu.VMEM((RWH * N,), jnp.int32),
            pltpu.VMEM((RWH * M + 16,), jnp.int32),
            pltpu.VMEM((RWH,), jnp.int32),
            pltpu.VMEM((_GB * M, D), jnp.float32),
            pltpu.SemaphoreType.DMA,
        ],
        name=f"select_gather_h{h}",
    )(_make_select_body(h))
    hl, scnt = kfn(order.reshape(N * N), maskf, H)
    return hl.reshape(NH, M, D), scnt


_BB = 64


def _bcast(x, shape, dims):
    return lax.broadcast_in_dim(x, shape, dims)


def _stats_body(hl_ref, scnt_ref, out_ref):
    G = hl_ref[...]
    scnt = scnt_ref[0, 0, :]
    sq = jnp.sum(G * G, axis=-1)
    inner = lax.dot_general(G, G, (((2,), (2,)), ((0,), (0,))),
                            preferred_element_type=jnp.float32)
    d2 = (_bcast(sq, (_BB, M, M), (0, 1)) + _bcast(sq, (_BB, M, M), (0, 2))
          - 2.0 * inner)
    d2 = jnp.maximum(d2, 0.0)
    dist = jnp.sqrt(d2 + 1e-12)

    mi = lax.broadcasted_iota(jnp.int32, (_BB, M, M), 1)
    ki = lax.broadcasted_iota(jnp.int32, (_BB, M, M), 2)
    sc3 = _bcast(scnt, (_BB, M, M), (0,))
    off = (mi < sc3) & (ki < sc3) & (mi != ki)
    dist_m = jnp.where(off, dist, BIG)
    pdrow = jnp.sum(jnp.where(off, dist, 0.0), axis=-1)

    keyi = lax.bitcast_convert_type(dist_m, jnp.int32)
    keyi = jnp.bitwise_or(jnp.bitwise_and(keyi, ~31), ki)
    cur = lax.bitcast_convert_type(keyi, jnp.float32)

    iota_m = lax.broadcasted_iota(jnp.int32, (_BB, M), 1)
    scb = _bcast(scnt, (_BB, M), (0,))
    valid2 = iota_m < scb

    zero = jnp.zeros((_BB, M), jnp.float32)
    s = zero
    s2 = zero
    xl = zero
    mx = zero
    nn = zero
    for t in range(KNEI):
        mn = jnp.min(cur, axis=-1)
        cur = jnp.where(cur == _bcast(mn, (_BB, M, M), (0, 1)), 1e38, cur)
        xv = lax.bitcast_convert_type(
            jnp.bitwise_and(lax.bitcast_convert_type(mn, jnp.int32), ~31),
            jnp.float32)
        wt = valid2 & ((t + 1) < scb)
        x = jnp.where(wt, xv, 0.0)
        s = s + x
        s2 = s2 + x * x
        xl = xl + x * jnp.log(x + 1e-12)
        mx = jnp.maximum(mx, x)
        nn = nn + wt.astype(jnp.float32)

    sum_knn = jnp.sum(s, axis=-1)
    n_raw = jnp.sum(nn, axis=-1)
    s2t = jnp.sum(s2, axis=-1)
    xlt = jnp.sum(xl, axis=-1)
    max_knn = jnp.max(mx, axis=-1)
    pd_t = jnp.sum(pdrow, axis=-1)

    n_k = n_raw + 1e-12
    mean_knn = sum_knn / n_k
    var = (s2t - 2.0 * mean_knn * sum_knn + mean_knn * mean_knn * n_raw) / n_k
    std_knn = jnp.sqrt(jnp.maximum(var, 0.0) + 1e-12)

    scf = scnt.astype(jnp.float32)
    n_pd = scf * scf - scf + 1e-12
    mean_pd = pd_t / n_pd

    sp = sum_knn + 1e-12
    ent = (sum_knn * jnp.log(sp) - xlt) / sp

    sigs = jnp.stack([mean_knn, max_knn, sum_knn, std_knn, mean_pd, ent],
                     axis=-1)
    gf = (scnt >= 3).astype(jnp.float32)
    out_ref[...] = sigs * _bcast(gf, (_BB, 6), (0,))


def _stats_tc(hl, scnt3):
    return pl.pallas_call(
        _stats_body,
        grid=(NH // _BB,),
        in_specs=[
            pl.BlockSpec((_BB, M, D), lambda i: (i, 0, 0)),
            pl.BlockSpec((1, 1, _BB), lambda i: (i, 0, 0)),
        ],
        out_specs=pl.BlockSpec((_BB, 6), lambda i: (i, 0)),
        out_shape=jax.ShapeDtypeStruct((NH, 6), jnp.float32),
    )(hl, scnt3)


def kernel(H, edge_index):
    order = _get_order()
    a = _build_adj(edge_index)
    maskf = _mask_tc(a)
    ordc = jnp.asarray(order)
    halves = []
    for h in range(2):
        hl, scnt = _select_gather(ordc, maskf, H, h)
        halves.append(_stats_tc(hl, scnt.reshape(NH // _BB, 1, _BB)))
    return jnp.concatenate(halves, axis=0)

# --- scband reference (transcript-rebuilt; emitter-appended) ---
"""Pipeline reference for scband-local-utsnode-encoder-8237747273754 (READ-ONLY COPY).

The authoritative reference and input builder live on the scoring server;
editing this copy changes nothing except your own understanding.
"""

import jax, jax.numpy as jnp
import numpy as np

K_HOPS = 2
MAX_NODES = 30
K_NEI = 5
UTS_DIM = 6
BIG = 1e9
N_NODES = 1024
N_EDGES = 16384
D_FEAT = 128


def setup_inputs(seed: int = 0) -> dict:
    key = jax.random.key(seed)
    k1, k2 = jax.random.split(key)
    H = jax.random.normal(k1, (N_NODES, D_FEAT), dtype=jnp.float32)
    edge_index = jax.random.randint(k2, (2, N_EDGES), 0, N_NODES, dtype=jnp.int32)
    return {"H": H, "edge_index": edge_index}


def _local_uts(H, edge_index):
    N = H.shape[0]
    # --- dense symmetric adjacency with self loops ---
    A = jnp.zeros((N, N), jnp.float32).at[edge_index[0], edge_index[1]].set(1.0)
    A = jnp.maximum(A, A.T)
    A = jnp.maximum(A, jnp.eye(N, dtype=jnp.float32))
    # --- k-hop reachability (k_hop_subgraph equivalent) ---
    R = A
    for _ in range(K_HOPS - 1):
        R = (R @ A > 0).astype(jnp.float32)
    mask = R > 0  # (N, N): node j in k-hop hood of node i
    counts = mask.sum(axis=1)  # hood sizes (include self)

    # --- subsample hood to MAX_NODES: self always kept, rest random ---
    skey = jax.random.key(42)
    scores = jax.random.uniform(skey, (N, N))
    scores = jnp.where(mask, scores, -jnp.inf)
    diag = jnp.arange(N)
    scores = scores.at[diag, diag].set(jnp.inf)
    _, idx = jax.lax.top_k(scores, MAX_NODES)  # (N, M)
    sel_count = jnp.minimum(counts, MAX_NODES)
    valid = jnp.arange(MAX_NODES)[None, :] < sel_count[:, None]  # (N, M)

    # --- gather local embeddings ---
    H_local = H[idx]  # (N, M, d)

    # --- pairwise distances inside each hood ---
    sq = jnp.sum(H_local * H_local, axis=-1)  # (N, M)
    inner = jnp.einsum('nmd,nkd->nmk', H_local, H_local)
    d2 = sq[:, :, None] + sq[:, None, :] - 2.0 * inner
    d2 = jnp.maximum(d2, 0.0)
    dist = jnp.sqrt(d2 + 1e-12)  # (N, M, M)

    pair_valid = valid[:, :, None] & valid[:, None, :]
    eye = jnp.eye(MAX_NODES, dtype=bool)[None, :, :]
    off = pair_valid & (~eye)
    dist_m = jnp.where(off, dist, BIG)

    # --- kNN distances (DifferentiableEmbeddingUTS core) ---
    neg_kd, _ = jax.lax.top_k(-dist_m, K_NEI)  # (N, M, K)
    knn_d = -neg_kd
    kw = (jnp.arange(K_NEI)[None, None, :] < (sel_count[:, None, None] - 1)) & valid[:, :, None]
    kwf = kw.astype(jnp.float32)
    knn_d = jnp.where(kw, knn_d, 0.0)

    n_k = kwf.sum(axis=(1, 2)) + 1e-12
    sum_knn = knn_d.sum(axis=(1, 2))
    mean_knn = sum_knn / n_k
    max_knn = jnp.max(knn_d, axis=(1, 2))
    dev = (knn_d - mean_knn[:, None, None]) * kwf
    std_knn = jnp.sqrt((dev * dev).sum(axis=(1, 2)) / n_k + 1e-12)

    pd = jnp.where(off, dist, 0.0)
    n_pd = off.astype(jnp.float32).sum(axis=(1, 2)) + 1e-12
    mean_pd = pd.sum(axis=(1, 2)) / n_pd

    p = knn_d / (sum_knn[:, None, None] + 1e-12)
    ent = -(p * jnp.log(p + 1e-12) * kwf).sum(axis=(1, 2))

    sigs = jnp.stack([mean_knn, max_knn, sum_knn, std_knn, mean_pd, ent], axis=1)  # (N, 6)
    sigs = jnp.where((counts >= 3)[:, None], sigs, 0.0)
    return sigs


def reference(H, edge_index):
    return _local_uts(H, edge_index)

if __name__ == "__main__":
    import jax
    _d = setup_inputs()
    print(jax.jit(kernel)(*tuple(_d.values())))

</pallas_src>

<mosaic_0001>
#map = affine_map<(d0, d1) -> (0)>
#map1 = affine_map<(d0, d1) -> (0, 0)>
module attributes {stable_mosaic.version = 14 : i64} {
  func.func @_adj_body(%arg0: i32, %arg1: i32, %arg2: memref<32768xi32, #tpu.memory_space<hbm>>, %arg3: memref<32x1024xf32, #tpu.memory_space<hbm>>, %arg4: memref<1024x1024xf32, #tpu.memory_space<hbm>>, %arg5: memref<32768xi32, #tpu.memory_space<vmem>>, %arg6: memref<32x1024xf32, #tpu.memory_space<vmem>>) attributes {dimension_semantics = [#tpu.dimension_semantics<core_parallel>, #tpu.dimension_semantics<subcore_parallel>], iteration_bounds = array<i64: 2, 16>, scalar_prefetch = 0 : i64, scratch_operands = 2 : i64, tpu.core_type = #tpu.core_type<sc_vector_subcore>, window_params = [{transform_indices = #map}, {transform_indices = #map1}, {transform_indices = #map1}]} {
    %mul3A = arith.constant 2 : i32
    %mul3A_0 = arith.muli %arg1, %mul3A : i32
    %add3A = arith.addi %mul3A_0, %arg0 : i32
    %mul3A_1 = arith.constant 32 : i32
    %mul3A_2 = arith.muli %add3A, %mul3A_1 : i32
    "tpu.region"() ({
      %run_scoped3A = tpu.sem_alloc : memref<!tpu.dma_semaphore, #tpu.memory_space<semaphore_mem>>
      tpu.enqueue_dma source(%arg3 : memref<32x1024xf32, #tpu.memory_space<hbm>>) target(%arg6 : memref<32x1024xf32, #tpu.memory_space<vmem>>) target_semaphore(%run_scoped3A : memref<!tpu.dma_semaphore, #tpu.memory_space<semaphore_mem>>)
      tpu.wait_dma2 semaphore(%run_scoped3A : memref<!tpu.dma_semaphore, #tpu.memory_space<semaphore_mem>>) src(%arg3 : memref<32x1024xf32, #tpu.memory_space<hbm>>) dst(%arg6 : memref<32x1024xf32, #tpu.memory_space<vmem>>)
      tpu.yield
    }) : () -> ()
    "tpu.region"() ({
      %run_scoped3A = tpu.sem_alloc : memref<!tpu.dma_semaphore, #tpu.memory_space<semaphore_mem>>
      tpu.enqueue_dma source(%arg2 : memref<32768xi32, #tpu.memory_space<hbm>>) target(%arg5 : memref<32768xi32, #tpu.memory_space<vmem>>) target_semaphore(%run_scoped3A : memref<!tpu.dma_semaphore, #tpu.memory_space<semaphore_mem>>)
      tpu.wait_dma2 semaphore(%run_scoped3A : memref<!tpu.dma_semaphore, #tpu.memory_space<semaphore_mem>>) src(%arg2 : memref<32768xi32, #tpu.memory_space<hbm>>) dst(%arg5 : memref<32768xi32, #tpu.memory_space<vmem>>)
      tpu.yield
    }) : () -> ()
    %broadcast_in_dim3A = arith.constant 1.000000e+00 : f32
    %broadcast_in_dim3A_3 = vector.broadcast %broadcast_in_dim3A : f32 to vector<16xf32>
    %parallel_loop3A = arith.constant 0 : i32
    %parallel_loop3A_4 = arith.constant 1024 : i32
    %parallel_loop3A_5 = arith.constant 1 : i32
    scf.for %parallel_loop3A_16 = %parallel_loop3A to %parallel_loop3A_4 step %parallel_loop3A_5  : i32 {
      %parallel_loop3A_17 = arith.constant 16 : i32
      %parallel_loop3A_18 = arith.muli %parallel_loop3A_16, %parallel_loop3A_17 : i32
      %parallel_loop3A_19 = arith.index_cast %parallel_loop3A_18 : i32 to index
      %parallel_loop3A_20 = tpu.vector_load %arg5[%parallel_loop3A_19] {strides = array<i32>} : memref<32768xi32, #tpu.memory_space<vmem>>, vector<16xi32>,
      %parallel_loop3A_21 = arith.constant 16 : i32
      %parallel_loop3A_22 = arith.muli %parallel_loop3A_16, %parallel_loop3A_21 : i32
      %parallel_loop3A_23 = arith.constant 16384 : i32
      %parallel_loop3A_24 = arith.addi %parallel_loop3A_23, %parallel_loop3A_22 : i32
      %parallel_loop3A_25 = arith.index_cast %parallel_loop3A_24 : i32 to index
      %parallel_loop3A_26 = tpu.vector_load %arg5[%parallel_loop3A_25] {strides = array<i32>} : memref<32768xi32, #tpu.memory_space<vmem>>, vector<16xi32>,
      %parallel_loop3A_27 = vector.broadcast %mul3A_2 : i32 to vector<16xi32>
      %parallel_loop3A_28 = arith.subi %parallel_loop3A_20, %parallel_loop3A_27 : vector<16xi32>
      %parallel_loop3A_29 = arith.constant 0 : i32
      %parallel_loop3A_30 = vector.broadcast %parallel_loop3A_29 : i32 to vector<16xi32>
      %parallel_loop3A_31 = arith.cmpi sge, %parallel_loop3A_28, %parallel_loop3A_30 : vector<16xi32>
      %parallel_loop3A_32 = arith.constant 32 : i32
      %parallel_loop3A_33 = vector.broadcast %parallel_loop3A_32 : i32 to vector<16xi32>
      %parallel_loop3A_34 = arith.cmpi slt, %parallel_loop3A_28, %parallel_loop3A_33 : vector<16xi32>
      %parallel_loop3A_35 = arith.andi %parallel_loop3A_31, %parallel_loop3A_34 : vector<16xi1>
      %parallel_loop3A_36 = arith.constant 0 : i32
      %parallel_loop3A_37 = vector.broadcast %parallel_loop3A_36 : i32 to vector<16xi32>
      %parallel_loop3A_38 = arith.select %parallel_loop3A_35, %parallel_loop3A_28, %parallel_loop3A_37 : vector<16xi1>, vector<16xi32>
      tpu.vector_store_idx %arg6[%parallel_loop3A_38, %parallel_loop3A_26], %broadcast_in_dim3A_3 masked %parallel_loop3A_35 : memref<32x1024xf32, #tpu.memory_space<vmem>>[vector<16xi32>, vector<16xi32>], vector<16xf32>, vector<16xi1>
      %parallel_loop3A_39 = vector.broadcast %mul3A_2 : i32 to vector<16xi32>
      %parallel_loop3A_40 = arith.subi %parallel_loop3A_26, %parallel_loop3A_39 : vector<16xi32>
      %parallel_loop3A_41 = arith.constant 0 : i32
      %parallel_loop3A_42 = vector.broadcast %parallel_loop3A_41 : i32 to vector<16xi32>
      %parallel_loop3A_43 = arith.cmpi sge, %parallel_loop3A_40, %parallel_loop3A_42 : vector<16xi32>
      %parallel_loop3A_44 = arith.constant 32 : i32
      %parallel_loop3A_45 = vector.broadcast %parallel_loop3A_44 : i32 to vector<16xi32>
      %parallel_loop3A_46 = arith.cmpi slt, %parallel_loop3A_40, %parallel_loop3A_45 : vector<16xi32>
      %parallel_loop3A_47 = arith.andi %parallel_loop3A_43, %parallel_loop3A_46 : vector<16xi1>
      %parallel_loop3A_48 = arith.constant 0 : i32
      %parallel_loop3A_49 = vector.broadcast %parallel_loop3A_48 : i32 to vector<16xi32>
      %parallel_loop3A_50 = arith.select %parallel_loop3A_47, %parallel_loop3A_40, %parallel_loop3A_49 : vector<16xi1>, vector<16xi32>
      tpu.vector_store_idx %arg6[%parallel_loop3A_50, %parallel_loop3A_20], %broadcast_in_dim3A_3 masked %parallel_loop3A_47 : memref<32x1024xf32, #tpu.memory_space<vmem>>[vector<16xi32>, vector<16xi32>], vector<16xf32>, vector<16xi1>
    } {sc.loop_unroll_factor = 4 : i64, sc.parallel_access}
    %iota3A = tpu.iota {dimensions = array<i32: 0>} : vector<16xi32>
    %add3A_6 = arith.constant 0 : i32
    %add3A_7 = vector.broadcast %add3A_6 : i32 to vector<16xi32>
    %add3A_8 = arith.addi %iota3A, %add3A_7 : vector<16xi32>
    %add3A_9 = vector.broadcast %mul3A_2 : i32 to vector<16xi32>
    %add3A_10 = arith.addi %add3A_9, %add3A_8 : vector<16xi32>
    tpu.vector_store_idx %arg6[%add3A_8, %add3A_10], %broadcast_in_dim3A_3 : memref<32x1024xf32, #tpu.memory_space<vmem>>[vector<16xi32>, vector<16xi32>], vector<16xf32>,
    %add3A_11 = arith.constant 16 : i32
    %add3A_12 = vector.broadcast %add3A_11 : i32 to vector<16xi32>
    %add3A_13 = arith.addi %iota3A, %add3A_12 : vector<16xi32>
    %add3A_14 = vector.broadcast %mul3A_2 : i32 to vector<16xi32>
    %add3A_15 = arith.addi %add3A_14, %add3A_13 : vector<16xi32>
    tpu.vector_store_idx %arg6[%add3A_13, %add3A_15], %broadcast_in_dim3A_3 : memref<32x1024xf32, #tpu.memory_space<vmem>>[vector<16xi32>, vector<16xi32>], vector<16xf32>,
    "tpu.region"() ({
      %run_scoped3A = tpu.sem_alloc : memref<!tpu.dma_semaphore, #tpu.memory_space<semaphore_mem>>
      %dma_start3A = arith.constant 0 : i32
      %dma_start3A_16 = tpu.memref_slice %arg4[%mul3A_2, %dma_start3A] : memref<1024x1024xf32, #tpu.memory_space<hbm>> -> memref<32x1024xf32, #tpu.memory_space<hbm>>
      %dma_start3A_17 = arith.constant 0 : i32
      %dma_start3A_18 = tpu.memref_slice %arg4[%mul3A_2, %dma_start3A_17] : memref<1024x1024xf32, #tpu.memory_space<hbm>> -> memref<32x1024xf32, #tpu.memory_space<hbm>>
      tpu.enqueue_dma source(%arg6 : memref<32x1024xf32, #tpu.memory_space<vmem>>) target(%dma_start3A_18 : memref<32x1024xf32, #tpu.memory_space<hbm>>) target_semaphore(%run_scoped3A : memref<!tpu.dma_semaphore, #tpu.memory_space<semaphore_mem>>)
      %dma_wait3A = arith.constant 0 : i32
      %dma_wait3A_19 = tpu.memref_slice %arg4[%mul3A_2, %dma_wait3A] : memref<1024x1024xf32, #tpu.memory_space<hbm>> -> memref<32x1024xf32, #tpu.memory_space<hbm>>
      %dma_wait3A_20 = arith.constant 0 : i32
      %dma_wait3A_21 = tpu.memref_slice %arg4[%mul3A_2, %dma_wait3A_20] : memref<1024x1024xf32, #tpu.memory_space<hbm>> -> memref<32x1024xf32, #tpu.memory_space<hbm>>
      tpu.wait_dma2 semaphore(%run_scoped3A : memref<!tpu.dma_semaphore, #tpu.memory_space<semaphore_mem>>) src(%arg6 : memref<32x1024xf32, #tpu.memory_space<vmem>>) dst(%dma_wait3A_21 : memref<32x1024xf32, #tpu.memory_space<hbm>>)
      tpu.yield
    }) : () -> ()
    return
  }
}

#map = affine_map<(d0, d1) -> (0)>
#map1 = affine_map<(d0, d1) -> (0, 0)>
module attributes {stable_mosaic.version = 14 : i64} {
  func.func @select_gather_h0(%arg0: i32, %arg1: i32, %arg2: memref<1048576xi32, #tpu.memory_space<hbm>>, %arg3: memref<1024x1024xf32, #tpu.memory_space<hbm>>, %arg4: memref<1024x128xf32, #tpu.memory_space<hbm>>, %arg5: memref<16384x128xf32, #tpu.memory_space<hbm>>, %arg6: memref<512xi32, #tpu.memory_space<hbm>>, %arg7: memref<16x1024xf32, #tpu.memory_space<vmem>>, %arg8: memref<16384xi32, #tpu.memory_space<vmem>>, %arg9: memref<528xi32, #tpu.memory_space<vmem>>, %arg10: memref<16xi32, #tpu.memory_space<vmem>>, %arg11: memref<256x128xf32, #tpu.memory_space<vmem>>, %arg12: memref<!tpu.dma_semaphore, #tpu.memory_space<semaphore_mem>>) attributes {dimension_semantics = [#tpu.dimension_semantics<core_parallel>, #tpu.dimension_semantics<subcore_parallel>], iteration_bounds = array<i64: 2, 16>, scalar_prefetch = 0 : i64, scratch_operands = 6 : i64, tpu.core_type = #tpu.core_type<sc_vector_subcore>, window_params = [{transform_indices = #map}, {transform_indices = #map1}, {transform_indices = #map1}, {transform_indices = #map1}, {transform_indices = #map}]} {
    %mul3A = arith.constant 2 : i32
    %mul3A_0 = arith.muli %arg1, %mul3A : i32
    %add3A = arith.addi %mul3A_0, %arg0 : i32
    %mul3A_1 = arith.constant 16 : i32
    %mul3A_2 = arith.muli %add3A, %mul3A_1 : i32
    %add3A_3 = arith.constant 0 : i32
    %add3A_4 = arith.addi %add3A_3, %mul3A_2 : i32
    "tpu.region"() ({
      %run_scoped3A = tpu.sem_alloc : memref<!tpu.dma_semaphore, #tpu.memory_space<semaphore_mem>>
      %dma_start3A_46 = arith.constant 0 : i32
      %dma_start3A_47 = tpu.memref_slice %arg3[%add3A_4, %dma_start3A_46] : memref<1024x1024xf32, #tpu.memory_space<hbm>> -> memref<16x1024xf32, #tpu.memory_space<hbm>>
      %dma_start3A_48 = arith.constant 0 : i32
      %dma_start3A_49 = tpu.memref_slice %arg3[%add3A_4, %dma_start3A_48] : memref<1024x1024xf32, #tpu.memory_space<hbm>> -> memref<16x1024xf32, #tpu.memory_space<hbm>>
      tpu.enqueue_dma source(%dma_start3A_49 : memref<16x1024xf32, #tpu.memory_space<hbm>>) target(%arg7 : memref<16x1024xf32, #tpu.memory_space<vmem>>) target_semaphore(%run_scoped3A : memref<!tpu.dma_semaphore, #tpu.memory_space<semaphore_mem>>)
      %dma_wait3A_50 = arith.constant 0 : i32
      %dma_wait3A_51 = tpu.memref_slice %arg3[%add3A_4, %dma_wait3A_50] : memref<1024x1024xf32, #tpu.memory_space<hbm>> -> memref<16x1024xf32, #tpu.memory_space<hbm>>
      %dma_wait3A_52 = arith.constant 0 : i32
      %dma_wait3A_53 = tpu.memref_slice %arg3[%add3A_4, %dma_wait3A_52] : memref<1024x1024xf32, #tpu.memory_space<hbm>> -> memref<16x1024xf32, #tpu.memory_space<hbm>>
      tpu.wait_dma2 semaphore(%run_scoped3A : memref<!tpu.dma_semaphore, #tpu.memory_space<semaphore_mem>>) src(%dma_wait3A_53 : memref<16x1024xf32, #tpu.memory_space<hbm>>) dst(%arg7 : memref<16x1024xf32, #tpu.memory_space<vmem>>)
      tpu.yield
    }) : () -> ()
    %mul3A_5 = arith.constant 1024 : i32
    %mul3A_6 = arith.muli %add3A_4, %mul3A_5 : i32
    "tpu.region"() ({
      %run_scoped3A = tpu.sem_alloc : memref<!tpu.dma_semaphore, #tpu.memory_space<semaphore_mem>>
      %dma_start3A_46 = tpu.memref_slice %arg2[%mul3A_6] : memref<1048576xi32, #tpu.memory_space<hbm>> -> memref<16384xi32, #tpu.memory_space<hbm>>
      %dma_start3A_47 = tpu.memref_slice %arg2[%mul3A_6] : memref<1048576xi32, #tpu.memory_space<hbm>> -> memref<16384xi32, #tpu.memory_space<hbm>>
      tpu.enqueue_dma source(%dma_start3A_47 : memref<16384xi32, #tpu.memory_space<hbm>>) target(%arg8 : memref<16384xi32, #tpu.memory_space<vmem>>) target_semaphore(%run_scoped3A : memref<!tpu.dma_semaphore, #tpu.memory_space<semaphore_mem>>)
      %dma_wait3A_48 = tpu.memref_slice %arg2[%mul3A_6] : memref<1048576xi32, #tpu.memory_space<hbm>> -> memref<16384xi32, #tpu.memory_space<hbm>>
      %dma_wait3A_49 = tpu.memref_slice %arg2[%mul3A_6] : memref<1048576xi32, #tpu.memory_space<hbm>> -> memref<16384xi32, #tpu.memory_space<hbm>>
      tpu.wait_dma2 semaphore(%run_scoped3A : memref<!tpu.dma_semaphore, #tpu.memory_space<semaphore_mem>>) src(%dma_wait3A_49 : memref<16384xi32, #tpu.memory_space<hbm>>) dst(%arg8 : memref<16384xi32, #tpu.memory_space<vmem>>)
      tpu.yield
    }) : () -> ()
    %iota3A = tpu.iota {dimensions = array<i32: 0>} : vector<16xi32>
    %eq3A = arith.constant 0 : i32
    %eq3A_7 = vector.broadcast %eq3A : i32 to vector<16xi32>
    %eq3A_8 = arith.cmpi eq, %iota3A, %eq3A_7 : vector<16xi32>
    %scan3A = arith.constant 0 : i32
    %scan3A_9 = arith.constant 0 : i32
    %scan3A_10 = arith.constant 8 : i32
    %scan3A_11 = arith.addi %scan3A_9, %scan3A_10 : i32
    %scan3A_12 = arith.constant 1 : i32
    scf.for %scan3A_46 = %scan3A_9 to %scan3A_11 step %scan3A_12  : i32 {
      %add3A_47 = arith.addi %add3A_4, %scan3A_46 : i32
      %broadcast_in_dim3A = vector.broadcast %add3A_47 : i32 to vector<16xi32>
      %mul3A_48 = arith.constant 32 : i32
      %mul3A_49 = arith.muli %scan3A_46, %mul3A_48 : i32
      %swap3A = arith.index_cast %mul3A_49 : i32 to index
      %swap3A_50 = tpu.vector_load %arg9[%swap3A] {strides = array<i32>} : memref<528xi32, #tpu.memory_space<vmem>>, vector<16xi32>,
      tpu.vector_store %arg9[%swap3A], %broadcast_in_dim3A {strides = array<i32>} : memref<528xi32, #tpu.memory_space<vmem>>, vector<16xi32>,
      %mul3A_51 = arith.constant 32 : i32
      %mul3A_52 = arith.muli %scan3A_46, %mul3A_51 : i32
      %add3A_53 = arith.constant 16 : i32
      %add3A_54 = arith.addi %mul3A_52, %add3A_53 : i32
      %swap3A_55 = arith.index_cast %add3A_54 : i32 to index
      %swap3A_56 = tpu.vector_load %arg9[%swap3A_55] {strides = array<i32>} : memref<528xi32, #tpu.memory_space<vmem>>, vector<16xi32>,
      tpu.vector_store %arg9[%swap3A_55], %broadcast_in_dim3A {strides = array<i32>} : memref<528xi32, #tpu.memory_space<vmem>>, vector<16xi32>,
      %while3A = arith.constant 0 : i32
      %while3A_57 = arith.constant 0 : i32
      %while3A_58:2 = scf.while (%while3A_61 = %while3A, %while3A_62 = %while3A_57) : (i32, i32) -> (i32, i32) {
        %lt3A = arith.constant 64 : i32
        %lt3A_63 = arith.cmpi slt, %while3A_61, %lt3A : i32
        %lt3A_64 = arith.constant 30 : i32
        %lt3A_65 = arith.cmpi slt, %while3A_62, %lt3A_64 : i32
        %and3A = arith.andi %lt3A_63, %lt3A_65 : i1
        scf.condition(%and3A) %while3A_61, %while3A_62 : i32, i32
      } do {
      ^bb0(%while3A_61: i32, %while3A_62: i32):
        %mul3A_63 = arith.constant 1024 : i32
        %mul3A_64 = arith.muli %scan3A_46, %mul3A_63 : i32
        %mul3A_65 = arith.constant 16 : i32
        %mul3A_66 = arith.muli %while3A_61, %mul3A_65 : i32
        %add3A_67 = arith.addi %mul3A_64, %mul3A_66 : i32
        %get3A = arith.index_cast %add3A_67 : i32 to index
        %get3A_68 = tpu.vector_load %arg8[%get3A] {strides = array<i32>} : memref<16384xi32, #tpu.memory_space<vmem>>, vector<16xi32>,
        %broadcast_in_dim3A_69 = vector.broadcast %scan3A_46 : i32 to vector<16xi32>
        %gather3A = tpu.vector_load_idx %arg7[%broadcast_in_dim3A_69, %get3A_68] : memref<16x1024xf32, #tpu.memory_space<vmem>>[vector<16xi32>, vector<16xi32>], vector<16xf32>,
        %gt3A = arith.constant 0.000000e+00 : f32
        %gt3A_70 = vector.broadcast %gt3A : f32 to vector<16xf32>
        %gt3A_71 = arith.cmpf ogt, %gather3A, %gt3A_70 : vector<16xf32>
        %convert_element_type3A = arith.extui %gt3A_71 : vector<16xi1> to vector<16xi32>
        %broadcast_in_dim3A_72 = arith.constant true
        %broadcast_in_dim3A_73 = vector.broadcast %broadcast_in_dim3A_72 : i1 to vector<16xi1>
        %masked_cumsum3A = tpu.scan <sum>, %convert_element_type3A masked %broadcast_in_dim3A_73 : vector<16xi32>, vector<16xi1> -> vector<16xi32>
        %add3A_74 = vector.broadcast %while3A_62 : i32 to vector<16xi32>
        %add3A_75 = arith.addi %add3A_74, %masked_cumsum3A : vector<16xi32>
        %le3A = arith.constant 30 : i32
        %le3A_76 = vector.broadcast %le3A : i32 to vector<16xi32>
        %le3A_77 = arith.cmpi sle, %add3A_75, %le3A_76 : vector<16xi32>
        %and3A = arith.andi %gt3A_71, %le3A_77 : vector<16xi1>
        %mul3A_78 = arith.constant 32 : i32
        %mul3A_79 = arith.muli %scan3A_46, %mul3A_78 : i32
        %add3A_80 = arith.addi %mul3A_79, %while3A_62 : i32
        %swap3A_81 = arith.index_cast %add3A_80 : i32 to index
        %swap3A_82 = tpu.vector_load %arg9[%swap3A_81] masked %and3A {strides = array<i32>} : memref<528xi32, #tpu.memory_space<vmem>>, vector<16xi32>, vector<16xi1>
        tpu.vector_store %arg9[%swap3A_81], %get3A_68 masked %and3A {strides = array<i32>} : memref<528xi32, #tpu.memory_space<vmem>>, vector<16xi32>, vector<16xi1>
        %add3A_83 = arith.constant 1 : i32
        %add3A_84 = arith.addi %while3A_61, %add3A_83 : i32
        %convert_element_type3A_85 = arith.extui %and3A : vector<16xi1> to vector<16xi32>
        %reduce_sum3A = arith.constant true
        %reduce_sum3A_86 = vector.broadcast %reduce_sum3A : i1 to vector<16xi1>
        %reduce_sum3A_87 = tpu.scan <sum>, %convert_element_type3A_85 masked %reduce_sum3A_86 : vector<16xi32>, vector<16xi1> -> vector<16xi32>
        %reduce_sum3A_88 = vector.extract %reduce_sum3A_87[15] : i32 from vector<16xi32>
        %add3A_89 = arith.addi %while3A_62, %reduce_sum3A_88 : i32
        scf.yield %add3A_84, %add3A_89 : i32, i32
      }
      %broadcast_in_dim3A_59 = vector.broadcast %scan3A_46 : i32 to vector<16xi32>
      %broadcast_in_dim3A_60 = vector.broadcast %while3A_58#1 : i32 to vector<16xi32>
      tpu.vector_store_idx %arg10[%broadcast_in_dim3A_59], %broadcast_in_dim3A_60 masked %eq3A_8 : memref<16xi32, #tpu.memory_space<vmem>>[vector<16xi32>], vector<16xi32>, vector<16xi1>
    }
    %scan3A_13 = arith.constant 8 : i32
    %dma_start3A = arith.constant 0 : i32
    %dma_start3A_14 = tpu.memref_slice %arg9[%dma_start3A] : memref<528xi32, #tpu.memory_space<vmem>> -> memref<256xi32, #tpu.memory_space<vmem>>
    %dma_start3A_15 = arith.constant 0 : i32
    %dma_start3A_16 = arith.constant 0 : i32
    %dma_start3A_17 = tpu.memref_slice %arg4[%dma_start3A_15, %dma_start3A_16] : memref<1024x128xf32, #tpu.memory_space<hbm>> -> memref<1024x128xf32, #tpu.memory_space<hbm>>
    tpu.enqueue_indirect_dma source(%dma_start3A_17 : memref<1024x128xf32, #tpu.memory_space<hbm>>) target(%arg11 : memref<256x128xf32, #tpu.memory_space<vmem>>) offsets(%dma_start3A_14 : memref<256xi32, #tpu.memory_space<vmem>>) semaphore(%arg12 : memref<!tpu.dma_semaphore, #tpu.memory_space<semaphore_mem>>)
    %scan3A_18 = arith.constant 0 : i32
    %scan3A_19 = arith.constant 8 : i32
    %scan3A_20 = arith.constant 8 : i32
    %scan3A_21 = arith.addi %scan3A_19, %scan3A_20 : i32
    %scan3A_22 = arith.constant 1 : i32
    scf.for %scan3A_46 = %scan3A_19 to %scan3A_21 step %scan3A_22  : i32 {
      %add3A_47 = arith.addi %add3A_4, %scan3A_46 : i32
      %broadcast_in_dim3A = vector.broadcast %add3A_47 : i32 to vector<16xi32>
      %mul3A_48 = arith.constant 32 : i32
      %mul3A_49 = arith.muli %scan3A_46, %mul3A_48 : i32
      %swap3A = arith.index_cast %mul3A_49 : i32 to index
      %swap3A_50 = tpu.vector_load %arg9[%swap3A] {strides = array<i32>} : memref<528xi32, #tpu.memory_space<vmem>>, vector<16xi32>,
      tpu.vector_store %arg9[%swap3A], %broadcast_in_dim3A {strides = array<i32>} : memref<528xi32, #tpu.memory_space<vmem>>, vector<16xi32>,
      %mul3A_51 = arith.constant 32 : i32
      %mul3A_52 = arith.muli %scan3A_46, %mul3A_51 : i32
      %add3A_53 = arith.constant 16 : i32
      %add3A_54 = arith.addi %mul3A_52, %add3A_53 : i32
      %swap3A_55 = arith.index_cast %add3A_54 : i32 to index
      %swap3A_56 = tpu.vector_load %arg9[%swap3A_55] {strides = array<i32>} : memref<528xi32, #tpu.memory_space<vmem>>, vector<16xi32>,
      tpu.vector_store %arg9[%swap3A_55], %broadcast_in_dim3A {strides = array<i32>} : memref<528xi32, #tpu.memory_space<vmem>>, vector<16xi32>,
      %while3A = arith.constant 0 : i32
      %while3A_57 = arith.constant 0 : i32
      %while3A_58:2 = scf.while (%while3A_61 = %while3A, %while3A_62 = %while3A_57) : (i32, i32) -> (i32, i32) {
        %lt3A = arith.constant 64 : i32
        %lt3A_63 = arith.cmpi slt, %while3A_61, %lt3A : i32
        %lt3A_64 = arith.constant 30 : i32
        %lt3A_65 = arith.cmpi slt, %while3A_62, %lt3A_64 : i32
        %and3A = arith.andi %lt3A_63, %lt3A_65 : i1
        scf.condition(%and3A) %while3A_61, %while3A_62 : i32, i32
      } do {
      ^bb0(%while3A_61: i32, %while3A_62: i32):
        %mul3A_63 = arith.constant 1024 : i32
        %mul3A_64 = arith.muli %scan3A_46, %mul3A_63 : i32
        %mul3A_65 = arith.constant 16 : i32
        %mul3A_66 = arith.muli %while3A_61, %mul3A_65 : i32
        %add3A_67 = arith.addi %mul3A_64, %mul3A_66 : i32
        %get3A = arith.index_cast %add3A_67 : i32 to index
        %get3A_68 = tpu.vector_load %arg8[%get3A] {strides = array<i32>} : memref<16384xi32, #tpu.memory_space<vmem>>, vector<16xi32>,
        %broadcast_in_dim3A_69 = vector.broadcast %scan3A_46 : i32 to vector<16xi32>
        %gather3A = tpu.vector_load_idx %arg7[%broadcast_in_dim3A_69, %get3A_68] : memref<16x1024xf32, #tpu.memory_space<vmem>>[vector<16xi32>, vector<16xi32>], vector<16xf32>,
        %gt3A = arith.constant 0.000000e+00 : f32
        %gt3A_70 = vector.broadcast %gt3A : f32 to vector<16xf32>
        %gt3A_71 = arith.cmpf ogt, %gather3A, %gt3A_70 : vector<16xf32>
        %convert_element_type3A = arith.extui %gt3A_71 : vector<16xi1> to vector<16xi32>
        %broadcast_in_dim3A_72 = arith.constant true
        %broadcast_in_dim3A_73 = vector.broadcast %broadcast_in_dim3A_72 : i1 to vector<16xi1>
        %masked_cumsum3A = tpu.scan <sum>, %convert_element_type3A masked %broadcast_in_dim3A_73 : vector<16xi32>, vector<16xi1> -> vector<16xi32>
        %add3A_74 = vector.broadcast %while3A_62 : i32 to vector<16xi32>
        %add3A_75 = arith.addi %add3A_74, %masked_cumsum3A : vector<16xi32>
        %le3A = arith.constant 30 : i32
        %le3A_76 = vector.broadcast %le3A : i32 to vector<16xi32>
        %le3A_77 = arith.cmpi sle, %add3A_75, %le3A_76 : vector<16xi32>
        %and3A = arith.andi %gt3A_71, %le3A_77 : vector<16xi1>
        %mul3A_78 = arith.constant 32 : i32
        %mul3A_79 = arith.muli %scan3A_46, %mul3A_78 : i32
        %add3A_80 = arith.addi %mul3A_79, %while3A_62 : i32
        %swap3A_81 = arith.index_cast %add3A_80 : i32 to index
        %swap3A_82 = tpu.vector_load %arg9[%swap3A_81] masked %and3A {strides = array<i32>} : memref<528xi32, #tpu.memory_space<vmem>>, vector<16xi32>, vector<16xi1>
        tpu.vector_store %arg9[%swap3A_81], %get3A_68 masked %and3A {strides = array<i32>} : memref<528xi32, #tpu.memory_space<vmem>>, vector<16xi32>, vector<16xi1>
        %add3A_83 = arith.constant 1 : i32
        %add3A_84 = arith.addi %while3A_61, %add3A_83 : i32
        %convert_element_type3A_85 = arith.extui %and3A : vector<16xi1> to vector<16xi32>
        %reduce_sum3A = arith.constant true
        %reduce_sum3A_86 = vector.broadcast %reduce_sum3A : i1 to vector<16xi1>
        %reduce_sum3A_87 = tpu.scan <sum>, %convert_element_type3A_85 masked %reduce_sum3A_86 : vector<16xi32>, vector<16xi1> -> vector<16xi32>
        %reduce_sum3A_88 = vector.extract %reduce_sum3A_87[15] : i32 from vector<16xi32>
        %add3A_89 = arith.addi %while3A_62, %reduce_sum3A_88 : i32
        scf.yield %add3A_84, %add3A_89 : i32, i32
      }
      %broadcast_in_dim3A_59 = vector.broadcast %scan3A_46 : i32 to vector<16xi32>
      %broadcast_in_dim3A_60 = vector.broadcast %while3A_58#1 : i32 to vector<16xi32>
      tpu.vector_store_idx %arg10[%broadcast_in_dim3A_59], %broadcast_in_dim3A_60 masked %eq3A_8 : memref<16xi32, #tpu.memory_space<vmem>>[vector<16xi32>], vector<16xi32>, vector<16xi1>
    }
    %scan3A_23 = arith.constant 8 : i32
    %dma_wait3A = arith.constant 0 : i32
    %dma_wait3A_24 = tpu.memref_slice %arg9[%dma_wait3A] : memref<528xi32, #tpu.memory_space<vmem>> -> memref<256xi32, #tpu.memory_space<vmem>>
    %dma_wait3A_25 = arith.constant 0 : i32
    %dma_wait3A_26 = arith.constant 0 : i32
    %dma_wait3A_27 = tpu.memref_slice %arg4[%dma_wait3A_25, %dma_wait3A_26] : memref<1024x128xf32, #tpu.memory_space<hbm>> -> memref<1024x128xf32, #tpu.memory_space<hbm>>
    tpu.wait_indirect_dma semaphore(%arg12 : memref<!tpu.dma_semaphore, #tpu.memory_space<semaphore_mem>>) src(%dma_wait3A_27 : memref<1024x128xf32, #tpu.memory_space<hbm>>) dst(%arg11 : memref<256x128xf32, #tpu.memory_space<vmem>>)
    %add3A_28 = arith.constant 0 : i32
    %add3A_29 = arith.addi %mul3A_2, %add3A_28 : i32
    %mul3A_30 = arith.constant 32 : i32
    %mul3A_31 = arith.muli %add3A_29, %mul3A_30 : i32
    "tpu.region"() ({
      %run_scoped3A = tpu.sem_alloc : memref<!tpu.dma_semaphore, #tpu.memory_space<semaphore_mem>>
      %dma_start3A_46 = arith.constant 0 : i32
      %dma_start3A_47 = tpu.memref_slice %arg5[%mul3A_31, %dma_start3A_46] : memref<16384x128xf32, #tpu.memory_space<hbm>> -> memref<256x128xf32, #tpu.memory_space<hbm>>
      %dma_start3A_48 = arith.constant 0 : i32
      %dma_start3A_49 = tpu.memref_slice %arg5[%mul3A_31, %dma_start3A_48] : memref<16384x128xf32, #tpu.memory_space<hbm>> -> memref<256x128xf32, #tpu.memory_space<hbm>>
      tpu.enqueue_dma source(%arg11 : memref<256x128xf32, #tpu.memory_space<vmem>>) target(%dma_start3A_49 : memref<256x128xf32, #tpu.memory_space<hbm>>) target_semaphore(%run_scoped3A : memref<!tpu.dma_semaphore, #tpu.memory_space<semaphore_mem>>)
      %dma_wait3A_50 = arith.constant 0 : i32
      %dma_wait3A_51 = tpu.memref_slice %arg5[%mul3A_31, %dma_wait3A_50] : memref<16384x128xf32, #tpu.memory_space<hbm>> -> memref<256x128xf32, #tpu.memory_space<hbm>>
      %dma_wait3A_52 = arith.constant 0 : i32
      %dma_wait3A_53 = tpu.memref_slice %arg5[%mul3A_31, %dma_wait3A_52] : memref<16384x128xf32, #tpu.memory_space<hbm>> -> memref<256x128xf32, #tpu.memory_space<hbm>>
      tpu.wait_dma2 semaphore(%run_scoped3A : memref<!tpu.dma_semaphore, #tpu.memory_space<semaphore_mem>>) src(%arg11 : memref<256x128xf32, #tpu.memory_space<vmem>>) dst(%dma_wait3A_53 : memref<256x128xf32, #tpu.memory_space<hbm>>)
      tpu.yield
    }) : () -> ()
    %dma_start3A_32 = arith.constant 256 : i32
    %dma_start3A_33 = tpu.memref_slice %arg9[%dma_start3A_32] : memref<528xi32, #tpu.memory_space<vmem>> -> memref<256xi32, #tpu.memory_space<vmem>>
    %dma_start3A_34 = arith.constant 0 : i32
    %dma_start3A_35 = arith.constant 0 : i32
    %dma_start3A_36 = tpu.memref_slice %arg4[%dma_start3A_34, %dma_start3A_35] : memref<1024x128xf32, #tpu.memory_space<hbm>> -> memref<1024x128xf32, #tpu.memory_space<hbm>>
    tpu.enqueue_indirect_dma source(%dma_start3A_36 : memref<1024x128xf32, #tpu.memory_space<hbm>>) target(%arg11 : memref<256x128xf32, #tpu.memory_space<vmem>>) offsets(%dma_start3A_33 : memref<256xi32, #tpu.memory_space<vmem>>) semaphore(%arg12 : memref<!tpu.dma_semaphore, #tpu.memory_space<semaphore_mem>>)
    %dma_wait3A_37 = arith.constant 256 : i32
    %dma_wait3A_38 = tpu.memref_slice %arg9[%dma_wait3A_37] : memref<528xi32, #tpu.memory_space<vmem>> -> memref<256xi32, #tpu.memory_space<vmem>>
    %dma_wait3A_39 = arith.constant 0 : i32
    %dma_wait3A_40 = arith.constant 0 : i32
    %dma_wait3A_41 = tpu.memref_slice %arg4[%dma_wait3A_39, %dma_wait3A_40] : memref<1024x128xf32, #tpu.memory_space<hbm>> -> memref<1024x128xf32, #tpu.memory_space<hbm>>
    tpu.wait_indirect_dma semaphore(%arg12 : memref<!tpu.dma_semaphore, #tpu.memory_space<semaphore_mem>>) src(%dma_wait3A_41 : memref<1024x128xf32, #tpu.memory_space<hbm>>) dst(%arg11 : memref<256x128xf32, #tpu.memory_space<vmem>>)
    %add3A_42 = arith.constant 8 : i32
    %add3A_43 = arith.addi %mul3A_2, %add3A_42 : i32
    %mul3A_44 = arith.constant 32 : i32
    %mul3A_45 = arith.muli %add3A_43, %mul3A_44 : i32
    "tpu.region"() ({
      %run_scoped3A = tpu.sem_alloc : memref<!tpu.dma_semaphore, #tpu.memory_space<semaphore_mem>>
      %dma_start3A_46 = arith.constant 0 : i32
      %dma_start3A_47 = tpu.memref_slice %arg5[%mul3A_45, %dma_start3A_46] : memref<16384x128xf32, #tpu.memory_space<hbm>> -> memref<256x128xf32, #tpu.memory_space<hbm>>
      %dma_start3A_48 = arith.constant 0 : i32
      %dma_start3A_49 = tpu.memref_slice %arg5[%mul3A_45, %dma_start3A_48] : memref<16384x128xf32, #tpu.memory_space<hbm>> -> memref<256x128xf32, #tpu.memory_space<hbm>>
      tpu.enqueue_dma source(%arg11 : memref<256x128xf32, #tpu.memory_space<vmem>>) target(%dma_start3A_49 : memref<256x128xf32, #tpu.memory_space<hbm>>) target_semaphore(%run_scoped3A : memref<!tpu.dma_semaphore, #tpu.memory_space<semaphore_mem>>)
      %dma_wait3A_50 = arith.constant 0 : i32
      %dma_wait3A_51 = tpu.memref_slice %arg5[%mul3A_45, %dma_wait3A_50] : memref<16384x128xf32, #tpu.memory_space<hbm>> -> memref<256x128xf32, #tpu.memory_space<hbm>>
      %dma_wait3A_52 = arith.constant 0 : i32
      %dma_wait3A_53 = tpu.memref_slice %arg5[%mul3A_45, %dma_wait3A_52] : memref<16384x128xf32, #tpu.memory_space<hbm>> -> memref<256x128xf32, #tpu.memory_space<hbm>>
      tpu.wait_dma2 semaphore(%run_scoped3A : memref<!tpu.dma_semaphore, #tpu.memory_space<semaphore_mem>>) src(%arg11 : memref<256x128xf32, #tpu.memory_space<vmem>>) dst(%dma_wait3A_53 : memref<256x128xf32, #tpu.memory_space<hbm>>)
      tpu.yield
    }) : () -> ()
    "tpu.region"() ({
      %run_scoped3A = tpu.sem_alloc : memref<!tpu.dma_semaphore, #tpu.memory_space<semaphore_mem>>
      %dma_start3A_46 = tpu.memref_slice %arg6[%mul3A_2] : memref<512xi32, #tpu.memory_space<hbm>> -> memref<16xi32, #tpu.memory_space<hbm>>
      %dma_start3A_47 = tpu.memref_slice %arg6[%mul3A_2] : memref<512xi32, #tpu.memory_space<hbm>> -> memref<16xi32, #tpu.memory_space<hbm>>
      tpu.enqueue_dma source(%arg10 : memref<16xi32, #tpu.memory_space<vmem>>) target(%dma_start3A_47 : memref<16xi32, #tpu.memory_space<hbm>>) target_semaphore(%run_scoped3A : memref<!tpu.dma_semaphore, #tpu.memory_space<semaphore_mem>>)
      %dma_wait3A_48 = tpu.memref_slice %arg6[%mul3A_2] : memref<512xi32, #tpu.memory_space<hbm>> -> memref<16xi32, #tpu.memory_space<hbm>>
      %dma_wait3A_49 = tpu.memref_slice %arg6[%mul3A_2] : memref<512xi32, #tpu.memory_space<hbm>> -> memref<16xi32, #tpu.memory_space<hbm>>
      tpu.wait_dma2 semaphore(%run_scoped3A : memref<!tpu.dma_semaphore, #tpu.memory_space<semaphore_mem>>) src(%arg10 : memref<16xi32, #tpu.memory_space<vmem>>) dst(%dma_wait3A_49 : memref<16xi32, #tpu.memory_space<hbm>>)
      tpu.yield
    }) : () -> ()
    return
  }
}

#map = affine_map<(d0, d1) -> (0)>
#map1 = affine_map<(d0, d1) -> (0, 0)>
module attributes {stable_mosaic.version = 14 : i64} {
  func.func @select_gather_h1(%arg0: i32, %arg1: i32, %arg2: memref<1048576xi32, #tpu.memory_space<hbm>>, %arg3: memref<1024x1024xf32, #tpu.memory_space<hbm>>, %arg4: memref<1024x128xf32, #tpu.memory_space<hbm>>, %arg5: memref<16384x128xf32, #tpu.memory_space<hbm>>, %arg6: memref<512xi32, #tpu.memory_space<hbm>>, %arg7: memref<16x1024xf32, #tpu.memory_space<vmem>>, %arg8: memref<16384xi32, #tpu.memory_space<vmem>>, %arg9: memref<528xi32, #tpu.memory_space<vmem>>, %arg10: memref<16xi32, #tpu.memory_space<vmem>>, %arg11: memref<256x128xf32, #tpu.memory_space<vmem>>, %arg12: memref<!tpu.dma_semaphore, #tpu.memory_space<semaphore_mem>>) attributes {dimension_semantics = [#tpu.dimension_semantics<core_parallel>, #tpu.dimension_semantics<subcore_parallel>], iteration_bounds = array<i64: 2, 16>, scalar_prefetch = 0 : i64, scratch_operands = 6 : i64, tpu.core_type = #tpu.core_type<sc_vector_subcore>, window_params = [{transform_indices = #map}, {transform_indices = #map1}, {transform_indices = #map1}, {transform_indices = #map1}, {transform_indices = #map}]} {
    %mul3A = arith.constant 2 : i32
    %mul3A_0 = arith.muli %arg1, %mul3A : i32
    %add3A = arith.addi %mul3A_0, %arg0 : i32
    %mul3A_1 = arith.constant 16 : i32
    %mul3A_2 = arith.muli %add3A, %mul3A_1 : i32
    %add3A_3 = arith.constant 512 : i32
    %add3A_4 = arith.addi %add3A_3, %mul3A_2 : i32
    "tpu.region"() ({
      %run_scoped3A = tpu.sem_alloc : memref<!tpu.dma_semaphore, #tpu.memory_space<semaphore_mem>>
      %dma_start3A_46 = arith.constant 0 : i32
      %dma_start3A_47 = tpu.memref_slice %arg3[%add3A_4, %dma_start3A_46] : memref<1024x1024xf32, #tpu.memory_space<hbm>> -> memref<16x1024xf32, #tpu.memory_space<hbm>>
      %dma_start3A_48 = arith.constant 0 : i32
      %dma_start3A_49 = tpu.memref_slice %arg3[%add3A_4, %dma_start3A_48] : memref<1024x1024xf32, #tpu.memory_space<hbm>> -> memref<16x1024xf32, #tpu.memory_space<hbm>>
      tpu.enqueue_dma source(%dma_start3A_49 : memref<16x1024xf32, #tpu.memory_space<hbm>>) target(%arg7 : memref<16x1024xf32, #tpu.memory_space<vmem>>) target_semaphore(%run_scoped3A : memref<!tpu.dma_semaphore, #tpu.memory_space<semaphore_mem>>)
      %dma_wait3A_50 = arith.constant 0 : i32
      %dma_wait3A_51 = tpu.memref_slice %arg3[%add3A_4, %dma_wait3A_50] : memref<1024x1024xf32, #tpu.memory_space<hbm>> -> memref<16x1024xf32, #tpu.memory_space<hbm>>
      %dma_wait3A_52 = arith.constant 0 : i32
      %dma_wait3A_53 = tpu.memref_slice %arg3[%add3A_4, %dma_wait3A_52] : memref<1024x1024xf32, #tpu.memory_space<hbm>> -> memref<16x1024xf32, #tpu.memory_space<hbm>>
      tpu.wait_dma2 semaphore(%run_scoped3A : memref<!tpu.dma_semaphore, #tpu.memory_space<semaphore_mem>>) src(%dma_wait3A_53 : memref<16x1024xf32, #tpu.memory_space<hbm>>) dst(%arg7 : memref<16x1024xf32, #tpu.memory_space<vmem>>)
      tpu.yield
    }) : () -> ()
    %mul3A_5 = arith.constant 1024 : i32
    %mul3A_6 = arith.muli %add3A_4, %mul3A_5 : i32
    "tpu.region"() ({
      %run_scoped3A = tpu.sem_alloc : memref<!tpu.dma_semaphore, #tpu.memory_space<semaphore_mem>>
      %dma_start3A_46 = tpu.memref_slice %arg2[%mul3A_6] : memref<1048576xi32, #tpu.memory_space<hbm>> -> memref<16384xi32, #tpu.memory_space<hbm>>
      %dma_start3A_47 = tpu.memref_slice %arg2[%mul3A_6] : memref<1048576xi32, #tpu.memory_space<hbm>> -> memref<16384xi32, #tpu.memory_space<hbm>>
      tpu.enqueue_dma source(%dma_start3A_47 : memref<16384xi32, #tpu.memory_space<hbm>>) target(%arg8 : memref<16384xi32, #tpu.memory_space<vmem>>) target_semaphore(%run_scoped3A : memref<!tpu.dma_semaphore, #tpu.memory_space<semaphore_mem>>)
      %dma_wait3A_48 = tpu.memref_slice %arg2[%mul3A_6] : memref<1048576xi32, #tpu.memory_space<hbm>> -> memref<16384xi32, #tpu.memory_space<hbm>>
      %dma_wait3A_49 = tpu.memref_slice %arg2[%mul3A_6] : memref<1048576xi32, #tpu.memory_space<hbm>> -> memref<16384xi32, #tpu.memory_space<hbm>>
      tpu.wait_dma2 semaphore(%run_scoped3A : memref<!tpu.dma_semaphore, #tpu.memory_space<semaphore_mem>>) src(%dma_wait3A_49 : memref<16384xi32, #tpu.memory_space<hbm>>) dst(%arg8 : memref<16384xi32, #tpu.memory_space<vmem>>)
      tpu.yield
    }) : () -> ()
    %iota3A = tpu.iota {dimensions = array<i32: 0>} : vector<16xi32>
    %eq3A = arith.constant 0 : i32
    %eq3A_7 = vector.broadcast %eq3A : i32 to vector<16xi32>
    %eq3A_8 = arith.cmpi eq, %iota3A, %eq3A_7 : vector<16xi32>
    %scan3A = arith.constant 0 : i32
    %scan3A_9 = arith.constant 0 : i32
    %scan3A_10 = arith.constant 8 : i32
    %scan3A_11 = arith.addi %scan3A_9, %scan3A_10 : i32
    %scan3A_12 = arith.constant 1 : i32
    scf.for %scan3A_46 = %scan3A_9 to %scan3A_11 step %scan3A_12  : i32 {
      %add3A_47 = arith.addi %add3A_4, %scan3A_46 : i32
      %broadcast_in_dim3A = vector.broadcast %add3A_47 : i32 to vector<16xi32>
      %mul3A_48 = arith.constant 32 : i32
      %mul3A_49 = arith.muli %scan3A_46, %mul3A_48 : i32
      %swap3A = arith.index_cast %mul3A_49 : i32 to index
      %swap3A_50 = tpu.vector_load %arg9[%swap3A] {strides = array<i32>} : memref<528xi32, #tpu.memory_space<vmem>>, vector<16xi32>,
      tpu.vector_store %arg9[%swap3A], %broadcast_in_dim3A {strides = array<i32>} : memref<528xi32, #tpu.memory_space<vmem>>, vector<16xi32>,
      %mul3A_51 = arith.constant 32 : i32
      %mul3A_52 = arith.muli %scan3A_46, %mul3A_51 : i32
      %add3A_53 = arith.constant 16 : i32
      %add3A_54 = arith.addi %mul3A_52, %add3A_53 : i32
      %swap3A_55 = arith.index_cast %add3A_54 : i32 to index
      %swap3A_56 = tpu.vector_load %arg9[%swap3A_55] {strides = array<i32>} : memref<528xi32, #tpu.memory_space<vmem>>, vector<16xi32>,
      tpu.vector_store %arg9[%swap3A_55], %broadcast_in_dim3A {strides = array<i32>} : memref<528xi32, #tpu.memory_space<vmem>>, vector<16xi32>,
      %while3A = arith.constant 0 : i32
      %while3A_57 = arith.constant 0 : i32
      %while3A_58:2 = scf.while (%while3A_61 = %while3A, %while3A_62 = %while3A_57) : (i32, i32) -> (i32, i32) {
        %lt3A = arith.constant 64 : i32
        %lt3A_63 = arith.cmpi slt, %while3A_61, %lt3A : i32
        %lt3A_64 = arith.constant 30 : i32
        %lt3A_65 = arith.cmpi slt, %while3A_62, %lt3A_64 : i32
        %and3A = arith.andi %lt3A_63, %lt3A_65 : i1
        scf.condition(%and3A) %while3A_61, %while3A_62 : i32, i32
      } do {
      ^bb0(%while3A_61: i32, %while3A_62: i32):
        %mul3A_63 = arith.constant 1024 : i32
        %mul3A_64 = arith.muli %scan3A_46, %mul3A_63 : i32
        %mul3A_65 = arith.constant 16 : i32
        %mul3A_66 = arith.muli %while3A_61, %mul3A_65 : i32
        %add3A_67 = arith.addi %mul3A_64, %mul3A_66 : i32
        %get3A = arith.index_cast %add3A_67 : i32 to index
        %get3A_68 = tpu.vector_load %arg8[%get3A] {strides = array<i32>} : memref<16384xi32, #tpu.memory_space<vmem>>, vector<16xi32>,
        %broadcast_in_dim3A_69 = vector.broadcast %scan3A_46 : i32 to vector<16xi32>
        %gather3A = tpu.vector_load_idx %arg7[%broadcast_in_dim3A_69, %get3A_68] : memref<16x1024xf32, #tpu.memory_space<vmem>>[vector<16xi32>, vector<16xi32>], vector<16xf32>,
        %gt3A = arith.constant 0.000000e+00 : f32
        %gt3A_70 = vector.broadcast %gt3A : f32 to vector<16xf32>
        %gt3A_71 = arith.cmpf ogt, %gather3A, %gt3A_70 : vector<16xf32>
        %convert_element_type3A = arith.extui %gt3A_71 : vector<16xi1> to vector<16xi32>
        %broadcast_in_dim3A_72 = arith.constant true
        %broadcast_in_dim3A_73 = vector.broadcast %broadcast_in_dim3A_72 : i1 to vector<16xi1>
        %masked_cumsum3A = tpu.scan <sum>, %convert_element_type3A masked %broadcast_in_dim3A_73 : vector<16xi32>, vector<16xi1> -> vector<16xi32>
        %add3A_74 = vector.broadcast %while3A_62 : i32 to vector<16xi32>
        %add3A_75 = arith.addi %add3A_74, %masked_cumsum3A : vector<16xi32>
        %le3A = arith.constant 30 : i32
        %le3A_76 = vector.broadcast %le3A : i32 to vector<16xi32>
        %le3A_77 = arith.cmpi sle, %add3A_75, %le3A_76 : vector<16xi32>
        %and3A = arith.andi %gt3A_71, %le3A_77 : vector<16xi1>
        %mul3A_78 = arith.constant 32 : i32
        %mul3A_79 = arith.muli %scan3A_46, %mul3A_78 : i32
        %add3A_80 = arith.addi %mul3A_79, %while3A_62 : i32
        %swap3A_81 = arith.index_cast %add3A_80 : i32 to index
        %swap3A_82 = tpu.vector_load %arg9[%swap3A_81] masked %and3A {strides = array<i32>} : memref<528xi32, #tpu.memory_space<vmem>>, vector<16xi32>, vector<16xi1>
        tpu.vector_store %arg9[%swap3A_81], %get3A_68 masked %and3A {strides = array<i32>} : memref<528xi32, #tpu.memory_space<vmem>>, vector<16xi32>, vector<16xi1>
        %add3A_83 = arith.constant 1 : i32
        %add3A_84 = arith.addi %while3A_61, %add3A_83 : i32
        %convert_element_type3A_85 = arith.extui %and3A : vector<16xi1> to vector<16xi32>
        %reduce_sum3A = arith.constant true
        %reduce_sum3A_86 = vector.broadcast %reduce_sum3A : i1 to vector<16xi1>
        %reduce_sum3A_87 = tpu.scan <sum>, %convert_element_type3A_85 masked %reduce_sum3A_86 : vector<16xi32>, vector<16xi1> -> vector<16xi32>
        %reduce_sum3A_88 = vector.extract %reduce_sum3A_87[15] : i32 from vector<16xi32>
        %add3A_89 = arith.addi %while3A_62, %reduce_sum3A_88 : i32
        scf.yield %add3A_84, %add3A_89 : i32, i32
      }
      %broadcast_in_dim3A_59 = vector.broadcast %scan3A_46 : i32 to vector<16xi32>
      %broadcast_in_dim3A_60 = vector.broadcast %while3A_58#1 : i32 to vector<16xi32>
      tpu.vector_store_idx %arg10[%broadcast_in_dim3A_59], %broadcast_in_dim3A_60 masked %eq3A_8 : memref<16xi32, #tpu.memory_space<vmem>>[vector<16xi32>], vector<16xi32>, vector<16xi1>
    }
    %scan3A_13 = arith.constant 8 : i32
    %dma_start3A = arith.constant 0 : i32
    %dma_start3A_14 = tpu.memref_slice %arg9[%dma_start3A] : memref<528xi32, #tpu.memory_space<vmem>> -> memref<256xi32, #tpu.memory_space<vmem>>
    %dma_start3A_15 = arith.constant 0 : i32
    %dma_start3A_16 = arith.constant 0 : i32
    %dma_start3A_17 = tpu.memref_slice %arg4[%dma_start3A_15, %dma_start3A_16] : memref<1024x128xf32, #tpu.memory_space<hbm>> -> memref<1024x128xf32, #tpu.memory_space<hbm>>
    tpu.enqueue_indirect_dma source(%dma_start3A_17 : memref<1024x128xf32, #tpu.memory_space<hbm>>) target(%arg11 : memref<256x128xf32, #tpu.memory_space<vmem>>) offsets(%dma_start3A_14 : memref<256xi32, #tpu.memory_space<vmem>>) semaphore(%arg12 : memref<!tpu.dma_semaphore, #tpu.memory_space<semaphore_mem>>)
    %scan3A_18 = arith.constant 0 : i32
    %scan3A_19 = arith.constant 8 : i32
    %scan3A_20 = arith.constant 8 : i32
    %scan3A_21 = arith.addi %scan3A_19, %scan3A_20 : i32
    %scan3A_22 = arith.constant 1 : i32
    scf.for %scan3A_46 = %scan3A_19 to %scan3A_21 step %scan3A_22  : i32 {
      %add3A_47 = arith.addi %add3A_4, %scan3A_46 : i32
      %broadcast_in_dim3A = vector.broadcast %add3A_47 : i32 to vector<16xi32>
      %mul3A_48 = arith.constant 32 : i32
      %mul3A_49 = arith.muli %scan3A_46, %mul3A_48 : i32
      %swap3A = arith.index_cast %mul3A_49 : i32 to index
      %swap3A_50 = tpu.vector_load %arg9[%swap3A] {strides = array<i32>} : memref<528xi32, #tpu.memory_space<vmem>>, vector<16xi32>,
      tpu.vector_store %arg9[%swap3A], %broadcast_in_dim3A {strides = array<i32>} : memref<528xi32, #tpu.memory_space<vmem>>, vector<16xi32>,
      %mul3A_51 = arith.constant 32 : i32
      %mul3A_52 = arith.muli %scan3A_46, %mul3A_51 : i32
      %add3A_53 = arith.constant 16 : i32
      %add3A_54 = arith.addi %mul3A_52, %add3A_53 : i32
      %swap3A_55 = arith.index_cast %add3A_54 : i32 to index
      %swap3A_56 = tpu.vector_load %arg9[%swap3A_55] {strides = array<i32>} : memref<528xi32, #tpu.memory_space<vmem>>, vector<16xi32>,
      tpu.vector_store %arg9[%swap3A_55], %broadcast_in_dim3A {strides = array<i32>} : memref<528xi32, #tpu.memory_space<vmem>>, vector<16xi32>,
      %while3A = arith.constant 0 : i32
      %while3A_57 = arith.constant 0 : i32
      %while3A_58:2 = scf.while (%while3A_61 = %while3A, %while3A_62 = %while3A_57) : (i32, i32) -> (i32, i32) {
        %lt3A = arith.constant 64 : i32
        %lt3A_63 = arith.cmpi slt, %while3A_61, %lt3A : i32
        %lt3A_64 = arith.constant 30 : i32
        %lt3A_65 = arith.cmpi slt, %while3A_62, %lt3A_64 : i32
        %and3A = arith.andi %lt3A_63, %lt3A_65 : i1
        scf.condition(%and3A) %while3A_61, %while3A_62 : i32, i32
      } do {
      ^bb0(%while3A_61: i32, %while3A_62: i32):
        %mul3A_63 = arith.constant 1024 : i32
        %mul3A_64 = arith.muli %scan3A_46, %mul3A_63 : i32
        %mul3A_65 = arith.constant 16 : i32
        %mul3A_66 = arith.muli %while3A_61, %mul3A_65 : i32
        %add3A_67 = arith.addi %mul3A_64, %mul3A_66 : i32
        %get3A = arith.index_cast %add3A_67 : i32 to index
        %get3A_68 = tpu.vector_load %arg8[%get3A] {strides = array<i32>} : memref<16384xi32, #tpu.memory_space<vmem>>, vector<16xi32>,
        %broadcast_in_dim3A_69 = vector.broadcast %scan3A_46 : i32 to vector<16xi32>
        %gather3A = tpu.vector_load_idx %arg7[%broadcast_in_dim3A_69, %get3A_68] : memref<16x1024xf32, #tpu.memory_space<vmem>>[vector<16xi32>, vector<16xi32>], vector<16xf32>,
        %gt3A = arith.constant 0.000000e+00 : f32
        %gt3A_70 = vector.broadcast %gt3A : f32 to vector<16xf32>
        %gt3A_71 = arith.cmpf ogt, %gather3A, %gt3A_70 : vector<16xf32>
        %convert_element_type3A = arith.extui %gt3A_71 : vector<16xi1> to vector<16xi32>
        %broadcast_in_dim3A_72 = arith.constant true
        %broadcast_in_dim3A_73 = vector.broadcast %broadcast_in_dim3A_72 : i1 to vector<16xi1>
        %masked_cumsum3A = tpu.scan <sum>, %convert_element_type3A masked %broadcast_in_dim3A_73 : vector<16xi32>, vector<16xi1> -> vector<16xi32>
        %add3A_74 = vector.broadcast %while3A_62 : i32 to vector<16xi32>
        %add3A_75 = arith.addi %add3A_74, %masked_cumsum3A : vector<16xi32>
        %le3A = arith.constant 30 : i32
        %le3A_76 = vector.broadcast %le3A : i32 to vector<16xi32>
        %le3A_77 = arith.cmpi sle, %add3A_75, %le3A_76 : vector<16xi32>
        %and3A = arith.andi %gt3A_71, %le3A_77 : vector<16xi1>
        %mul3A_78 = arith.constant 32 : i32
        %mul3A_79 = arith.muli %scan3A_46, %mul3A_78 : i32
        %add3A_80 = arith.addi %mul3A_79, %while3A_62 : i32
        %swap3A_81 = arith.index_cast %add3A_80 : i32 to index
        %swap3A_82 = tpu.vector_load %arg9[%swap3A_81] masked %and3A {strides = array<i32>} : memref<528xi32, #tpu.memory_space<vmem>>, vector<16xi32>, vector<16xi1>
        tpu.vector_store %arg9[%swap3A_81], %get3A_68 masked %and3A {strides = array<i32>} : memref<528xi32, #tpu.memory_space<vmem>>, vector<16xi32>, vector<16xi1>
        %add3A_83 = arith.constant 1 : i32
        %add3A_84 = arith.addi %while3A_61, %add3A_83 : i32
        %convert_element_type3A_85 = arith.extui %and3A : vector<16xi1> to vector<16xi32>
        %reduce_sum3A = arith.constant true
        %reduce_sum3A_86 = vector.broadcast %reduce_sum3A : i1 to vector<16xi1>
        %reduce_sum3A_87 = tpu.scan <sum>, %convert_element_type3A_85 masked %reduce_sum3A_86 : vector<16xi32>, vector<16xi1> -> vector<16xi32>
        %reduce_sum3A_88 = vector.extract %reduce_sum3A_87[15] : i32 from vector<16xi32>
        %add3A_89 = arith.addi %while3A_62, %reduce_sum3A_88 : i32
        scf.yield %add3A_84, %add3A_89 : i32, i32
      }
      %broadcast_in_dim3A_59 = vector.broadcast %scan3A_46 : i32 to vector<16xi32>
      %broadcast_in_dim3A_60 = vector.broadcast %while3A_58#1 : i32 to vector<16xi32>
      tpu.vector_store_idx %arg10[%broadcast_in_dim3A_59], %broadcast_in_dim3A_60 masked %eq3A_8 : memref<16xi32, #tpu.memory_space<vmem>>[vector<16xi32>], vector<16xi32>, vector<16xi1>
    }
    %scan3A_23 = arith.constant 8 : i32
    %dma_wait3A = arith.constant 0 : i32
    %dma_wait3A_24 = tpu.memref_slice %arg9[%dma_wait3A] : memref<528xi32, #tpu.memory_space<vmem>> -> memref<256xi32, #tpu.memory_space<vmem>>
    %dma_wait3A_25 = arith.constant 0 : i32
    %dma_wait3A_26 = arith.constant 0 : i32
    %dma_wait3A_27 = tpu.memref_slice %arg4[%dma_wait3A_25, %dma_wait3A_26] : memref<1024x128xf32, #tpu.memory_space<hbm>> -> memref<1024x128xf32, #tpu.memory_space<hbm>>
    tpu.wait_indirect_dma semaphore(%arg12 : memref<!tpu.dma_semaphore, #tpu.memory_space<semaphore_mem>>) src(%dma_wait3A_27 : memref<1024x128xf32, #tpu.memory_space<hbm>>) dst(%arg11 : memref<256x128xf32, #tpu.memory_space<vmem>>)
    %add3A_28 = arith.constant 0 : i32
    %add3A_29 = arith.addi %mul3A_2, %add3A_28 : i32
    %mul3A_30 = arith.constant 32 : i32
    %mul3A_31 = arith.muli %add3A_29, %mul3A_30 : i32
    "tpu.region"() ({
      %run_scoped3A = tpu.sem_alloc : memref<!tpu.dma_semaphore, #tpu.memory_space<semaphore_mem>>
      %dma_start3A_46 = arith.constant 0 : i32
      %dma_start3A_47 = tpu.memref_slice %arg5[%mul3A_31, %dma_start3A_46] : memref<16384x128xf32, #tpu.memory_space<hbm>> -> memref<256x128xf32, #tpu.memory_space<hbm>>
      %dma_start3A_48 = arith.constant 0 : i32
      %dma_start3A_49 = tpu.memref_slice %arg5[%mul3A_31, %dma_start3A_48] : memref<16384x128xf32, #tpu.memory_space<hbm>> -> memref<256x128xf32, #tpu.memory_space<hbm>>
      tpu.enqueue_dma source(%arg11 : memref<256x128xf32, #tpu.memory_space<vmem>>) target(%dma_start3A_49 : memref<256x128xf32, #tpu.memory_space<hbm>>) target_semaphore(%run_scoped3A : memref<!tpu.dma_semaphore, #tpu.memory_space<semaphore_mem>>)
      %dma_wait3A_50 = arith.constant 0 : i32
      %dma_wait3A_51 = tpu.memref_slice %arg5[%mul3A_31, %dma_wait3A_50] : memref<16384x128xf32, #tpu.memory_space<hbm>> -> memref<256x128xf32, #tpu.memory_space<hbm>>
      %dma_wait3A_52 = arith.constant 0 : i32
      %dma_wait3A_53 = tpu.memref_slice %arg5[%mul3A_31, %dma_wait3A_52] : memref<16384x128xf32, #tpu.memory_space<hbm>> -> memref<256x128xf32, #tpu.memory_space<hbm>>
      tpu.wait_dma2 semaphore(%run_scoped3A : memref<!tpu.dma_semaphore, #tpu.memory_space<semaphore_mem>>) src(%arg11 : memref<256x128xf32, #tpu.memory_space<vmem>>) dst(%dma_wait3A_53 : memref<256x128xf32, #tpu.memory_space<hbm>>)
      tpu.yield
    }) : () -> ()
    %dma_start3A_32 = arith.constant 256 : i32
    %dma_start3A_33 = tpu.memref_slice %arg9[%dma_start3A_32] : memref<528xi32, #tpu.memory_space<vmem>> -> memref<256xi32, #tpu.memory_space<vmem>>
    %dma_start3A_34 = arith.constant 0 : i32
    %dma_start3A_35 = arith.constant 0 : i32
    %dma_start3A_36 = tpu.memref_slice %arg4[%dma_start3A_34, %dma_start3A_35] : memref<1024x128xf32, #tpu.memory_space<hbm>> -> memref<1024x128xf32, #tpu.memory_space<hbm>>
    tpu.enqueue_indirect_dma source(%dma_start3A_36 : memref<1024x128xf32, #tpu.memory_space<hbm>>) target(%arg11 : memref<256x128xf32, #tpu.memory_space<vmem>>) offsets(%dma_start3A_33 : memref<256xi32, #tpu.memory_space<vmem>>) semaphore(%arg12 : memref<!tpu.dma_semaphore, #tpu.memory_space<semaphore_mem>>)
    %dma_wait3A_37 = arith.constant 256 : i32
    %dma_wait3A_38 = tpu.memref_slice %arg9[%dma_wait3A_37] : memref<528xi32, #tpu.memory_space<vmem>> -> memref<256xi32, #tpu.memory_space<vmem>>
    %dma_wait3A_39 = arith.constant 0 : i32
    %dma_wait3A_40 = arith.constant 0 : i32
    %dma_wait3A_41 = tpu.memref_slice %arg4[%dma_wait3A_39, %dma_wait3A_40] : memref<1024x128xf32, #tpu.memory_space<hbm>> -> memref<1024x128xf32, #tpu.memory_space<hbm>>
    tpu.wait_indirect_dma semaphore(%arg12 : memref<!tpu.dma_semaphore, #tpu.memory_space<semaphore_mem>>) src(%dma_wait3A_41 : memref<1024x128xf32, #tpu.memory_space<hbm>>) dst(%arg11 : memref<256x128xf32, #tpu.memory_space<vmem>>)
    %add3A_42 = arith.constant 8 : i32
    %add3A_43 = arith.addi %mul3A_2, %add3A_42 : i32
    %mul3A_44 = arith.constant 32 : i32
    %mul3A_45 = arith.muli %add3A_43, %mul3A_44 : i32
    "tpu.region"() ({
      %run_scoped3A = tpu.sem_alloc : memref<!tpu.dma_semaphore, #tpu.memory_space<semaphore_mem>>
      %dma_start3A_46 = arith.constant 0 : i32
      %dma_start3A_47 = tpu.memref_slice %arg5[%mul3A_45, %dma_start3A_46] : memref<16384x128xf32, #tpu.memory_space<hbm>> -> memref<256x128xf32, #tpu.memory_space<hbm>>
      %dma_start3A_48 = arith.constant 0 : i32
      %dma_start3A_49 = tpu.memref_slice %arg5[%mul3A_45, %dma_start3A_48] : memref<16384x128xf32, #tpu.memory_space<hbm>> -> memref<256x128xf32, #tpu.memory_space<hbm>>
      tpu.enqueue_dma source(%arg11 : memref<256x128xf32, #tpu.memory_space<vmem>>) target(%dma_start3A_49 : memref<256x128xf32, #tpu.memory_space<hbm>>) target_semaphore(%run_scoped3A : memref<!tpu.dma_semaphore, #tpu.memory_space<semaphore_mem>>)
      %dma_wait3A_50 = arith.constant 0 : i32
      %dma_wait3A_51 = tpu.memref_slice %arg5[%mul3A_45, %dma_wait3A_50] : memref<16384x128xf32, #tpu.memory_space<hbm>> -> memref<256x128xf32, #tpu.memory_space<hbm>>
      %dma_wait3A_52 = arith.constant 0 : i32
      %dma_wait3A_53 = tpu.memref_slice %arg5[%mul3A_45, %dma_wait3A_52] : memref<16384x128xf32, #tpu.memory_space<hbm>> -> memref<256x128xf32, #tpu.memory_space<hbm>>
      tpu.wait_dma2 semaphore(%run_scoped3A : memref<!tpu.dma_semaphore, #tpu.memory_space<semaphore_mem>>) src(%arg11 : memref<256x128xf32, #tpu.memory_space<vmem>>) dst(%dma_wait3A_53 : memref<256x128xf32, #tpu.memory_space<hbm>>)
      tpu.yield
    }) : () -> ()
    "tpu.region"() ({
      %run_scoped3A = tpu.sem_alloc : memref<!tpu.dma_semaphore, #tpu.memory_space<semaphore_mem>>
      %dma_start3A_46 = tpu.memref_slice %arg6[%mul3A_2] : memref<512xi32, #tpu.memory_space<hbm>> -> memref<16xi32, #tpu.memory_space<hbm>>
      %dma_start3A_47 = tpu.memref_slice %arg6[%mul3A_2] : memref<512xi32, #tpu.memory_space<hbm>> -> memref<16xi32, #tpu.memory_space<hbm>>
      tpu.enqueue_dma source(%arg10 : memref<16xi32, #tpu.memory_space<vmem>>) target(%dma_start3A_47 : memref<16xi32, #tpu.memory_space<hbm>>) target_semaphore(%run_scoped3A : memref<!tpu.dma_semaphore, #tpu.memory_space<semaphore_mem>>)
      %dma_wait3A_48 = tpu.memref_slice %arg6[%mul3A_2] : memref<512xi32, #tpu.memory_space<hbm>> -> memref<16xi32, #tpu.memory_space<hbm>>
      %dma_wait3A_49 = tpu.memref_slice %arg6[%mul3A_2] : memref<512xi32, #tpu.memory_space<hbm>> -> memref<16xi32, #tpu.memory_space<hbm>>
      tpu.wait_dma2 semaphore(%run_scoped3A : memref<!tpu.dma_semaphore, #tpu.memory_space<semaphore_mem>>) src(%arg10 : memref<16xi32, #tpu.memory_space<vmem>>) dst(%dma_wait3A_49 : memref<16xi32, #tpu.memory_space<hbm>>)
      tpu.yield
    }) : () -> ()
    return
  }
}

module attributes {stable_mosaic.version = 14 : i64} {
  func.func @_mask_body(%arg0: memref<1024x1024xf32, #tpu.memory_space<vmem>>, %arg1: memref<1024x1024xf32, #tpu.memory_space<vmem>>) attributes {dimension_semantics = [], scalar_prefetch = 0 : i64, scratch_operands = 0 : i64, tpu.core_type = #tpu.core_type<tc>} {
    %get3A = arith.constant 0 : index
    %get3A_0 = arith.constant 0 : index
    %get3A_1 = vector.load %arg0[%get3A, %get3A_0] : memref<1024x1024xf32, #tpu.memory_space<vmem>>, vector<1024x1024xf32>
    %convert_element_type3A = arith.truncf %get3A_1 : vector<1024x1024xf32> to vector<1024x1024xbf16>
    %dot_general3A = arith.constant dense<0.000000e+00> : vector<1024x1024xf32>
    %dot_general3A_2 = tpu.matmul %convert_element_type3A, %convert_element_type3A, %dot_general3A {dimension_numbers = #tpu.dot_dimension_numbers<[1], [0], [0], [1], [0, 0, 1, 1], [], []>, transpose_lhs_hint = false} : vector<1024x1024xbf16>, vector<1024x1024xbf16>, vector<1024x1024xf32> -> vector<1024x1024xf32>
    %gt3A = arith.constant 0.000000e+00 : f32
    %gt3A_3 = vector.broadcast %gt3A : f32 to vector<1024x1024xf32>
    %gt3A_4 = arith.cmpf ogt, %dot_general3A_2, %gt3A_3 : vector<1024x1024xf32>
    %convert_element_type3A_5 = arith.extui %gt3A_4 : vector<1024x1024xi1> to vector<1024x1024xi32>
    %convert_element_type3A_6 = arith.sitofp %convert_element_type3A_5 : vector<1024x1024xi32> to vector<1024x1024xf32>
    %swap3A = arith.constant 0 : index
    %swap3A_7 = arith.constant 0 : index
    %swap3A_8 = vector.load %arg1[%swap3A, %swap3A_7] : memref<1024x1024xf32, #tpu.memory_space<vmem>>, vector<1024x1024xf32>
    tpu.vector_store %arg1[%swap3A, %swap3A_7], %convert_element_type3A_6 {strides = array<i32>} : memref<1024x1024xf32, #tpu.memory_space<vmem>>, vector<1024x1024xf32>,
    return
  }
}

module attributes {stable_mosaic.version = 14 : i64} {
  func.func @_stats_body(%arg0: i32, %arg1: memref<64x32x128xf32, #tpu.memory_space<vmem>>, %arg2: memref<1x1x64xi32, #tpu.memory_space<vmem>>, %arg3: memref<64x6xf32, #tpu.memory_space<vmem>>) attributes {dimension_semantics = [#tpu.dimension_semantics<arbitrary>], iteration_bounds = array<i64: 8>, scalar_prefetch = 0 : i64, scratch_operands = 0 : i64, tpu.core_type = #tpu.core_type<tc>, window_params = [{transform_indices = @transform_0, window_bounds = array<i64: 64, 32, 128>}, {transform_indices = @transform_1, window_bounds = array<i64: 1, 1, 64>}, {transform_indices = @transform_2, window_bounds = array<i64: 64, 6>}]} {
    %get3A = arith.constant 0 : index
    %get3A_0 = arith.constant 0 : index
    %get3A_1 = arith.constant 0 : index
    %get3A_2 = vector.load %arg1[%get3A, %get3A_0, %get3A_1] : memref<64x32x128xf32, #tpu.memory_space<vmem>>, vector<64x32x128xf32>
    %get3A_3 = arith.constant 0 : index
    %get3A_4 = arith.constant 0 : index
    %get3A_5 = arith.constant 0 : index
    %get3A_6 = vector.load %arg2[%get3A_3, %get3A_4, %get3A_5] : memref<1x1x64xi32, #tpu.memory_space<vmem>>, vector<1x1x64xi32>
    %get3A_7 = vector.shape_cast %get3A_6 : vector<1x1x64xi32> to vector<64xi32>
    %mul3A = arith.mulf %get3A_2, %get3A_2 : vector<64x32x128xf32>
    %reduce_sum3A = arith.constant dense<0.000000e+00> : vector<64x32xf32>
    %reduce_sum3A_8 = vector.multi_reduction <add>, %mul3A, %reduce_sum3A [2] : vector<64x32x128xf32> to vector<64x32xf32>
    %dot_general3A = arith.constant dense<0.000000e+00> : vector<64x32x32xf32>
    %dot_general3A_9 = tpu.matmul %get3A_2, %get3A_2, %dot_general3A {dimension_numbers = #tpu.dot_dimension_numbers<[2], [2], [1], [1], [0, 0, 0, 1, 1, 1], [0], [0]>, transpose_lhs_hint = false} : vector<64x32x128xf32>, vector<64x32x128xf32>, vector<64x32x32xf32> -> vector<64x32x32xf32>
    %broadcast_in_dim3A = vector.shape_cast %reduce_sum3A_8 : vector<64x32xf32> to vector<64x32x1xf32>
    %broadcast_in_dim3A_10 = vector.broadcast %broadcast_in_dim3A : vector<64x32x1xf32> to vector<64x32x32xf32>
    %broadcast_in_dim3A_11 = vector.shape_cast %reduce_sum3A_8 : vector<64x32xf32> to vector<64x1x32xf32>
    %broadcast_in_dim3A_12 = vector.broadcast %broadcast_in_dim3A_11 : vector<64x1x32xf32> to vector<64x32x32xf32>
    %add3A = arith.addf %broadcast_in_dim3A_10, %broadcast_in_dim3A_12 : vector<64x32x32xf32>
    %mul3A_13 = arith.constant 2.000000e+00 : f32
    %mul3A_14 = vector.broadcast %mul3A_13 : f32 to vector<64x32x32xf32>
    %mul3A_15 = arith.mulf %mul3A_14, %dot_general3A_9 : vector<64x32x32xf32>
    %sub3A = arith.subf %add3A, %mul3A_15 : vector<64x32x32xf32>
    %max3A = arith.constant 0.000000e+00 : f32
    %max3A_16 = vector.broadcast %max3A : f32 to vector<64x32x32xf32>
    %max3A_17 = arith.maximumf %sub3A, %max3A_16 : vector<64x32x32xf32>
    %add3A_18 = arith.constant 9.99999996E-13 : f32
    %add3A_19 = vector.broadcast %add3A_18 : f32 to vector<64x32x32xf32>
    %add3A_20 = arith.addf %max3A_17, %add3A_19 : vector<64x32x32xf32>
    %sqrt3A = math.sqrt %add3A_20 : vector<64x32x32xf32>
    %iota3A = tpu.iota {dimensions = array<i32: 1>} : vector<64x32x32xi32>
    %iota3A_21 = tpu.iota {dimensions = array<i32: 2>} : vector<64x32x32xi32>
    %broadcast_in_dim3A_22 = vector.shape_cast %get3A_7 : vector<64xi32> to vector<64x1x1xi32>
    %broadcast_in_dim3A_23 = vector.broadcast %broadcast_in_dim3A_22 : vector<64x1x1xi32> to vector<64x32x32xi32>
    %lt3A = arith.cmpi slt, %iota3A, %broadcast_in_dim3A_23 : vector<64x32x32xi32>
    %lt3A_24 = arith.cmpi slt, %iota3A_21, %broadcast_in_dim3A_23 : vector<64x32x32xi32>
    %and3A = arith.andi %lt3A, %lt3A_24 : vector<64x32x32xi1>
    %ne3A = arith.cmpi ne, %iota3A, %iota3A_21 : vector<64x32x32xi32>
    %and3A_25 = arith.andi %and3A, %ne3A : vector<64x32x32xi1>
    %jit3A = arith.constant 1.000000e+09 : f32
    %broadcast_in_dim3A_26 = vector.broadcast %jit3A : f32 to vector<64x32x32xf32>
    %select_n3A = arith.select %and3A_25, %sqrt3A, %broadcast_in_dim3A_26 : vector<64x32x32xi1>, vector<64x32x32xf32>
    %jit3A_27 = arith.constant 0.000000e+00 : f32
    %broadcast_in_dim3A_28 = vector.broadcast %jit3A_27 : f32 to vector<64x32x32xf32>
    %select_n3A_29 = arith.select %and3A_25, %sqrt3A, %broadcast_in_dim3A_28 : vector<64x32x32xi1>, vector<64x32x32xf32>
    %reduce_sum3A_30 = arith.constant dense<0.000000e+00> : vector<64x32xf32>
    %reduce_sum3A_31 = vector.multi_reduction <add>, %select_n3A_29, %reduce_sum3A_30 [2] : vector<64x32x32xf32> to vector<64x32xf32>
    %bitcast_convert_type3A = tpu.bitcast %select_n3A : vector<64x32x32xf32> -> vector<64x32x32xi32>
    %and3A_32 = arith.constant -32 : i32
    %and3A_33 = vector.broadcast %and3A_32 : i32 to vector<64x32x32xi32>
    %and3A_34 = arith.andi %bitcast_convert_type3A, %and3A_33 : vector<64x32x32xi32>
    %or3A = arith.ori %and3A_34, %iota3A_21 : vector<64x32x32xi32>
    %bitcast_convert_type3A_35 = tpu.bitcast %or3A : vector<64x32x32xi32> -> vector<64x32x32xf32>
    %iota3A_36 = tpu.iota {dimensions = array<i32: 1>} : vector<64x32xi32>
    %broadcast_in_dim3A_37 = vector.shape_cast %get3A_7 : vector<64xi32> to vector<64x1xi32>
    %broadcast_in_dim3A_38 = vector.broadcast %broadcast_in_dim3A_37 : vector<64x1xi32> to vector<64x32xi32>
    %lt3A_39 = arith.cmpi slt, %iota3A_36, %broadcast_in_dim3A_38 : vector<64x32xi32>
    %broadcast_in_dim3A_40 = arith.constant 0.000000e+00 : f32
    %broadcast_in_dim3A_41 = vector.broadcast %broadcast_in_dim3A_40 : f32 to vector<64x32xf32>
    %reduce_min3A = arith.constant dense<0x7F800000> : vector<64x32xf32>
    %reduce_min3A_42 = vector.multi_reduction <minimumf>, %bitcast_convert_type3A_35, %reduce_min3A [2] : vector<64x32x32xf32> to vector<64x32xf32>
    %broadcast_in_dim3A_43 = vector.shape_cast %reduce_min3A_42 : vector<64x32xf32> to vector<64x32x1xf32>
    %broadcast_in_dim3A_44 = vector.broadcast %broadcast_in_dim3A_43 : vector<64x32x1xf32> to vector<64x32x32xf32>
    %eq3A = arith.cmpf oeq, %bitcast_convert_type3A_35, %broadcast_in_dim3A_44 : vector<64x32x32xf32>
    %jit3A_45 = arith.constant 9.99999968E+37 : f32
    %broadcast_in_dim3A_46 = vector.broadcast %jit3A_45 : f32 to vector<64x32x32xf32>
    %select_n3A_47 = arith.select %eq3A, %broadcast_in_dim3A_46, %bitcast_convert_type3A_35 : vector<64x32x32xi1>, vector<64x32x32xf32>
    %bitcast_convert_type3A_48 = tpu.bitcast %reduce_min3A_42 : vector<64x32xf32> -> vector<64x32xi32>
    %and3A_49 = arith.constant -32 : i32
    %and3A_50 = vector.broadcast %and3A_49 : i32 to vector<64x32xi32>
    %and3A_51 = arith.andi %bitcast_convert_type3A_48, %and3A_50 : vector<64x32xi32>
    %bitcast_convert_type3A_52 = tpu.bitcast %and3A_51 : vector<64x32xi32> -> vector<64x32xf32>
    %gt3A = arith.constant 1 : i32
    %gt3A_53 = vector.broadcast %gt3A : i32 to vector<64x32xi32>
    %gt3A_54 = arith.cmpi sgt, %broadcast_in_dim3A_38, %gt3A_53 : vector<64x32xi32>
    %and3A_55 = arith.andi %lt3A_39, %gt3A_54 : vector<64x32xi1>
    %jit3A_56 = arith.constant 0.000000e+00 : f32
    %broadcast_in_dim3A_57 = vector.broadcast %jit3A_56 : f32 to vector<64x32xf32>
    %select_n3A_58 = arith.select %and3A_55, %bitcast_convert_type3A_52, %broadcast_in_dim3A_57 : vector<64x32xi1>, vector<64x32xf32>
    %add3A_59 = arith.addf %broadcast_in_dim3A_41, %select_n3A_58 : vector<64x32xf32>
    %mul3A_60 = arith.mulf %select_n3A_58, %select_n3A_58 : vector<64x32xf32>
    %add3A_61 = arith.addf %broadcast_in_dim3A_41, %mul3A_60 : vector<64x32xf32>
    %add3A_62 = arith.constant 9.99999996E-13 : f32
    %add3A_63 = vector.broadcast %add3A_62 : f32 to vector<64x32xf32>
    %add3A_64 = arith.addf %select_n3A_58, %add3A_63 : vector<64x32xf32>
    %log3A = math.log %add3A_64 : vector<64x32xf32>
    %mul3A_65 = arith.mulf %select_n3A_58, %log3A : vector<64x32xf32>
    %add3A_66 = arith.addf %broadcast_in_dim3A_41, %mul3A_65 : vector<64x32xf32>
    %max3A_67 = arith.maximumf %broadcast_in_dim3A_41, %select_n3A_58 : vector<64x32xf32>
    %convert_element_type3A = arith.extui %and3A_55 : vector<64x32xi1> to vector<64x32xi32>
    %convert_element_type3A_68 = arith.sitofp %convert_element_type3A : vector<64x32xi32> to vector<64x32xf32>
    %add3A_69 = arith.addf %broadcast_in_dim3A_41, %convert_element_type3A_68 : vector<64x32xf32>
    %reduce_min3A_70 = arith.constant dense<0x7F800000> : vector<64x32xf32>
    %reduce_min3A_71 = vector.multi_reduction <minimumf>, %select_n3A_47, %reduce_min3A_70 [2] : vector<64x32x32xf32> to vector<64x32xf32>
    %broadcast_in_dim3A_72 = vector.shape_cast %reduce_min3A_71 : vector<64x32xf32> to vector<64x32x1xf32>
    %broadcast_in_dim3A_73 = vector.broadcast %broadcast_in_dim3A_72 : vector<64x32x1xf32> to vector<64x32x32xf32>
    %eq3A_74 = arith.cmpf oeq, %select_n3A_47, %broadcast_in_dim3A_73 : vector<64x32x32xf32>
    %jit3A_75 = arith.constant 9.99999968E+37 : f32
    %broadcast_in_dim3A_76 = vector.broadcast %jit3A_75 : f32 to vector<64x32x32xf32>
    %select_n3A_77 = arith.select %eq3A_74, %broadcast_in_dim3A_76, %select_n3A_47 : vector<64x32x32xi1>, vector<64x32x32xf32>
    %bitcast_convert_type3A_78 = tpu.bitcast %reduce_min3A_71 : vector<64x32xf32> -> vector<64x32xi32>
    %and3A_79 = arith.constant -32 : i32
    %and3A_80 = vector.broadcast %and3A_79 : i32 to vector<64x32xi32>
    %and3A_81 = arith.andi %bitcast_convert_type3A_78, %and3A_80 : vector<64x32xi32>
    %bitcast_convert_type3A_82 = tpu.bitcast %and3A_81 : vector<64x32xi32> -> vector<64x32xf32>
    %gt3A_83 = arith.constant 2 : i32
    %gt3A_84 = vector.broadcast %gt3A_83 : i32 to vector<64x32xi32>
    %gt3A_85 = arith.cmpi sgt, %broadcast_in_dim3A_38, %gt3A_84 : vector<64x32xi32>
    %and3A_86 = arith.andi %lt3A_39, %gt3A_85 : vector<64x32xi1>
    %jit3A_87 = arith.constant 0.000000e+00 : f32
    %broadcast_in_dim3A_88 = vector.broadcast %jit3A_87 : f32 to vector<64x32xf32>
    %select_n3A_89 = arith.select %and3A_86, %bitcast_convert_type3A_82, %broadcast_in_dim3A_88 : vector<64x32xi1>, vector<64x32xf32>
    %add3A_90 = arith.addf %add3A_59, %select_n3A_89 : vector<64x32xf32>
    %mul3A_91 = arith.mulf %select_n3A_89, %select_n3A_89 : vector<64x32xf32>
    %add3A_92 = arith.addf %add3A_61, %mul3A_91 : vector<64x32xf32>
    %add3A_93 = arith.constant 9.99999996E-13 : f32
    %add3A_94 = vector.broadcast %add3A_93 : f32 to vector<64x32xf32>
    %add3A_95 = arith.addf %select_n3A_89, %add3A_94 : vector<64x32xf32>
    %log3A_96 = math.log %add3A_95 : vector<64x32xf32>
    %mul3A_97 = arith.mulf %select_n3A_89, %log3A_96 : vector<64x32xf32>
    %add3A_98 = arith.addf %add3A_66, %mul3A_97 : vector<64x32xf32>
    %max3A_99 = arith.maximumf %max3A_67, %select_n3A_89 : vector<64x32xf32>
    %convert_element_type3A_100 = arith.extui %and3A_86 : vector<64x32xi1> to vector<64x32xi32>
    %convert_element_type3A_101 = arith.sitofp %convert_element_type3A_100 : vector<64x32xi32> to vector<64x32xf32>
    %add3A_102 = arith.addf %add3A_69, %convert_element_type3A_101 : vector<64x32xf32>
    %reduce_min3A_103 = arith.constant dense<0x7F800000> : vector<64x32xf32>
    %reduce_min3A_104 = vector.multi_reduction <minimumf>, %select_n3A_77, %reduce_min3A_103 [2] : vector<64x32x32xf32> to vector<64x32xf32>
    %broadcast_in_dim3A_105 = vector.shape_cast %reduce_min3A_104 : vector<64x32xf32> to vector<64x32x1xf32>
    %broadcast_in_dim3A_106 = vector.broadcast %broadcast_in_dim3A_105 : vector<64x32x1xf32> to vector<64x32x32xf32>
    %eq3A_107 = arith.cmpf oeq, %select_n3A_77, %broadcast_in_dim3A_106 : vector<64x32x32xf32>
    %jit3A_108 = arith.constant 9.99999968E+37 : f32
    %broadcast_in_dim3A_109 = vector.broadcast %jit3A_108 : f32 to vector<64x32x32xf32>
    %select_n3A_110 = arith.select %eq3A_107, %broadcast_in_dim3A_109, %select_n3A_77 : vector<64x32x32xi1>, vector<64x32x32xf32>
    %bitcast_convert_type3A_111 = tpu.bitcast %reduce_min3A_104 : vector<64x32xf32> -> vector<64x32xi32>
    %and3A_112 = arith.constant -32 : i32
    %and3A_113 = vector.broadcast %and3A_112 : i32 to vector<64x32xi32>
    %and3A_114 = arith.andi %bitcast_convert_type3A_111, %and3A_113 : vector<64x32xi32>
    %bitcast_convert_type3A_115 = tpu.bitcast %and3A_114 : vector<64x32xi32> -> vector<64x32xf32>
    %gt3A_116 = arith.constant 3 : i32
    %gt3A_117 = vector.broadcast %gt3A_116 : i32 to vector<64x32xi32>
    %gt3A_118 = arith.cmpi sgt, %broadcast_in_dim3A_38, %gt3A_117 : vector<64x32xi32>
    %and3A_119 = arith.andi %lt3A_39, %gt3A_118 : vector<64x32xi1>
    %jit3A_120 = arith.constant 0.000000e+00 : f32
    %broadcast_in_dim3A_121 = vector.broadcast %jit3A_120 : f32 to vector<64x32xf32>
    %select_n3A_122 = arith.select %and3A_119, %bitcast_convert_type3A_115, %broadcast_in_dim3A_121 : vector<64x32xi1>, vector<64x32xf32>
    %add3A_123 = arith.addf %add3A_90, %select_n3A_122 : vector<64x32xf32>
    %mul3A_124 = arith.mulf %select_n3A_122, %select_n3A_122 : vector<64x32xf32>
    %add3A_125 = arith.addf %add3A_92, %mul3A_124 : vector<64x32xf32>
    %add3A_126 = arith.constant 9.99999996E-13 : f32
    %add3A_127 = vector.broadcast %add3A_126 : f32 to vector<64x32xf32>
    %add3A_128 = arith.addf %select_n3A_122, %add3A_127 : vector<64x32xf32>
    %log3A_129 = math.log %add3A_128 : vector<64x32xf32>
    %mul3A_130 = arith.mulf %select_n3A_122, %log3A_129 : vector<64x32xf32>
    %add3A_131 = arith.addf %add3A_98, %mul3A_130 : vector<64x32xf32>
    %max3A_132 = arith.maximumf %max3A_99, %select_n3A_122 : vector<64x32xf32>
    %convert_element_type3A_133 = arith.extui %and3A_119 : vector<64x32xi1> to vector<64x32xi32>
    %convert_element_type3A_134 = arith.sitofp %convert_element_type3A_133 : vector<64x32xi32> to vector<64x32xf32>
    %add3A_135 = arith.addf %add3A_102, %convert_element_type3A_134 : vector<64x32xf32>
    %reduce_min3A_136 = arith.constant dense<0x7F800000> : vector<64x32xf32>
    %reduce_min3A_137 = vector.multi_reduction <minimumf>, %select_n3A_110, %reduce_min3A_136 [2] : vector<64x32x32xf32> to vector<64x32xf32>
    %broadcast_in_dim3A_138 = vector.shape_cast %reduce_min3A_137 : vector<64x32xf32> to vector<64x32x1xf32>
    %broadcast_in_dim3A_139 = vector.broadcast %broadcast_in_dim3A_138 : vector<64x32x1xf32> to vector<64x32x32xf32>
    %eq3A_140 = arith.cmpf oeq, %select_n3A_110, %broadcast_in_dim3A_139 : vector<64x32x32xf32>
    %jit3A_141 = arith.constant 9.99999968E+37 : f32
    %broadcast_in_dim3A_142 = vector.broadcast %jit3A_141 : f32 to vector<64x32x32xf32>
    %select_n3A_143 = arith.select %eq3A_140, %broadcast_in_dim3A_142, %select_n3A_110 : vector<64x32x32xi1>, vector<64x32x32xf32>
    %bitcast_convert_type3A_144 = tpu.bitcast %reduce_min3A_137 : vector<64x32xf32> -> vector<64x32xi32>
    %and3A_145 = arith.constant -32 : i32
    %and3A_146 = vector.broadcast %and3A_145 : i32 to vector<64x32xi32>
    %and3A_147 = arith.andi %bitcast_convert_type3A_144, %and3A_146 : vector<64x32xi32>
    %bitcast_convert_type3A_148 = tpu.bitcast %and3A_147 : vector<64x32xi32> -> vector<64x32xf32>
    %gt3A_149 = arith.constant 4 : i32
    %gt3A_150 = vector.broadcast %gt3A_149 : i32 to vector<64x32xi32>
    %gt3A_151 = arith.cmpi sgt, %broadcast_in_dim3A_38, %gt3A_150 : vector<64x32xi32>
    %and3A_152 = arith.andi %lt3A_39, %gt3A_151 : vector<64x32xi1>
    %jit3A_153 = arith.constant 0.000000e+00 : f32
    %broadcast_in_dim3A_154 = vector.broadcast %jit3A_153 : f32 to vector<64x32xf32>
    %select_n3A_155 = arith.select %and3A_152, %bitcast_convert_type3A_148, %broadcast_in_dim3A_154 : vector<64x32xi1>, vector<64x32xf32>
    %add3A_156 = arith.addf %add3A_123, %select_n3A_155 : vector<64x32xf32>
    %mul3A_157 = arith.mulf %select_n3A_155, %select_n3A_155 : vector<64x32xf32>
    %add3A_158 = arith.addf %add3A_125, %mul3A_157 : vector<64x32xf32>
    %add3A_159 = arith.constant 9.99999996E-13 : f32
    %add3A_160 = vector.broadcast %add3A_159 : f32 to vector<64x32xf32>
    %add3A_161 = arith.addf %select_n3A_155, %add3A_160 : vector<64x32xf32>
    %log3A_162 = math.log %add3A_161 : vector<64x32xf32>
    %mul3A_163 = arith.mulf %select_n3A_155, %log3A_162 : vector<64x32xf32>
    %add3A_164 = arith.addf %add3A_131, %mul3A_163 : vector<64x32xf32>
    %max3A_165 = arith.maximumf %max3A_132, %select_n3A_155 : vector<64x32xf32>
    %convert_element_type3A_166 = arith.extui %and3A_152 : vector<64x32xi1> to vector<64x32xi32>
    %convert_element_type3A_167 = arith.sitofp %convert_element_type3A_166 : vector<64x32xi32> to vector<64x32xf32>
    %add3A_168 = arith.addf %add3A_135, %convert_element_type3A_167 : vector<64x32xf32>
    %reduce_min3A_169 = arith.constant dense<0x7F800000> : vector<64x32xf32>
    %reduce_min3A_170 = vector.multi_reduction <minimumf>, %select_n3A_143, %reduce_min3A_169 [2] : vector<64x32x32xf32> to vector<64x32xf32>
    %bitcast_convert_type3A_171 = tpu.bitcast %reduce_min3A_170 : vector<64x32xf32> -> vector<64x32xi32>
    %and3A_172 = arith.constant -32 : i32
    %and3A_173 = vector.broadcast %and3A_172 : i32 to vector<64x32xi32>
    %and3A_174 = arith.andi %bitcast_convert_type3A_171, %and3A_173 : vector<64x32xi32>
    %bitcast_convert_type3A_175 = tpu.bitcast %and3A_174 : vector<64x32xi32> -> vector<64x32xf32>
    %gt3A_176 = arith.constant 5 : i32
    %gt3A_177 = vector.broadcast %gt3A_176 : i32 to vector<64x32xi32>
    %gt3A_178 = arith.cmpi sgt, %broadcast_in_dim3A_38, %gt3A_177 : vector<64x32xi32>
    %and3A_179 = arith.andi %lt3A_39, %gt3A_178 : vector<64x32xi1>
    %jit3A_180 = arith.constant 0.000000e+00 : f32
    %broadcast_in_dim3A_181 = vector.broadcast %jit3A_180 : f32 to vector<64x32xf32>
    %select_n3A_182 = arith.select %and3A_179, %bitcast_convert_type3A_175, %broadcast_in_dim3A_181 : vector<64x32xi1>, vector<64x32xf32>
    %add3A_183 = arith.addf %add3A_156, %select_n3A_182 : vector<64x32xf32>
    %mul3A_184 = arith.mulf %select_n3A_182, %select_n3A_182 : vector<64x32xf32>
    %add3A_185 = arith.addf %add3A_158, %mul3A_184 : vector<64x32xf32>
    %add3A_186 = arith.constant 9.99999996E-13 : f32
    %add3A_187 = vector.broadcast %add3A_186 : f32 to vector<64x32xf32>
    %add3A_188 = arith.addf %select_n3A_182, %add3A_187 : vector<64x32xf32>
    %log3A_189 = math.log %add3A_188 : vector<64x32xf32>
    %mul3A_190 = arith.mulf %select_n3A_182, %log3A_189 : vector<64x32xf32>
    %add3A_191 = arith.addf %add3A_164, %mul3A_190 : vector<64x32xf32>
    %max3A_192 = arith.maximumf %max3A_165, %select_n3A_182 : vector<64x32xf32>
    %convert_element_type3A_193 = arith.extui %and3A_179 : vector<64x32xi1> to vector<64x32xi32>
    %convert_element_type3A_194 = arith.sitofp %convert_element_type3A_193 : vector<64x32xi32> to vector<64x32xf32>
    %add3A_195 = arith.addf %add3A_168, %convert_element_type3A_194 : vector<64x32xf32>
    %reduce_sum3A_196 = arith.constant dense<0.000000e+00> : vector<64xf32>
    %reduce_sum3A_197 = vector.multi_reduction <add>, %add3A_183, %reduce_sum3A_196 [1] : vector<64x32xf32> to vector<64xf32>
    %reduce_sum3A_198 = arith.constant dense<0.000000e+00> : vector<64xf32>
    %reduce_sum3A_199 = vector.multi_reduction <add>, %add3A_195, %reduce_sum3A_198 [1] : vector<64x32xf32> to vector<64xf32>
    %reduce_sum3A_200 = arith.constant dense<0.000000e+00> : vector<64xf32>
    %reduce_sum3A_201 = vector.multi_reduction <add>, %add3A_185, %reduce_sum3A_200 [1] : vector<64x32xf32> to vector<64xf32>
    %reduce_sum3A_202 = arith.constant dense<0.000000e+00> : vector<64xf32>
    %reduce_sum3A_203 = vector.multi_reduction <add>, %add3A_191, %reduce_sum3A_202 [1] : vector<64x32xf32> to vector<64xf32>
    %reduce_max3A = arith.constant dense<0xFF800000> : vector<64xf32>
    %reduce_max3A_204 = vector.multi_reduction <maximumf>, %max3A_192, %reduce_max3A [1] : vector<64x32xf32> to vector<64xf32>
    %reduce_sum3A_205 = arith.constant dense<0.000000e+00> : vector<64xf32>
    %reduce_sum3A_206 = vector.multi_reduction <add>, %reduce_sum3A_31, %reduce_sum3A_205 [1] : vector<64x32xf32> to vector<64xf32>
    %add3A_207 = arith.constant 9.99999996E-13 : f32
    %add3A_208 = vector.broadcast %add3A_207 : f32 to vector<64xf32>
    %add3A_209 = arith.addf %reduce_sum3A_199, %add3A_208 : vector<64xf32>
    %div3A = arith.divf %reduce_sum3A_197, %add3A_209 : vector<64xf32>
    %mul3A_210 = arith.constant 2.000000e+00 : f32
    %mul3A_211 = vector.broadcast %mul3A_210 : f32 to vector<64xf32>
    %mul3A_212 = arith.mulf %mul3A_211, %div3A : vector<64xf32>
    %mul3A_213 = arith.mulf %mul3A_212, %reduce_sum3A_197 : vector<64xf32>
    %sub3A_214 = arith.subf %reduce_sum3A_201, %mul3A_213 : vector<64xf32>
    %mul3A_215 = arith.mulf %div3A, %div3A : vector<64xf32>
    %mul3A_216 = arith.mulf %mul3A_215, %reduce_sum3A_199 : vector<64xf32>
    %add3A_217 = arith.addf %sub3A_214, %mul3A_216 : vector<64xf32>
    %div3A_218 = arith.divf %add3A_217, %add3A_209 : vector<64xf32>
    %max3A_219 = arith.constant 0.000000e+00 : f32
    %max3A_220 = vector.broadcast %max3A_219 : f32 to vector<64xf32>
    %max3A_221 = arith.maximumf %div3A_218, %max3A_220 : vector<64xf32>
    %add3A_222 = arith.constant 9.99999996E-13 : f32
    %add3A_223 = vector.broadcast %add3A_222 : f32 to vector<64xf32>
    %add3A_224 = arith.addf %max3A_221, %add3A_223 : vector<64xf32>
    %sqrt3A_225 = math.sqrt %add3A_224 : vector<64xf32>
    %convert_element_type3A_226 = arith.sitofp %get3A_7 : vector<64xi32> to vector<64xf32>
    %mul3A_227 = arith.mulf %convert_element_type3A_226, %convert_element_type3A_226 : vector<64xf32>
    %sub3A_228 = arith.subf %mul3A_227, %convert_element_type3A_226 : vector<64xf32>
    %add3A_229 = arith.constant 9.99999996E-13 : f32
    %add3A_230 = vector.broadcast %add3A_229 : f32 to vector<64xf32>
    %add3A_231 = arith.addf %sub3A_228, %add3A_230 : vector<64xf32>
    %div3A_232 = arith.divf %reduce_sum3A_206, %add3A_231 : vector<64xf32>
    %add3A_233 = arith.constant 9.99999996E-13 : f32
    %add3A_234 = vector.broadcast %add3A_233 : f32 to vector<64xf32>
    %add3A_235 = arith.addf %reduce_sum3A_197, %add3A_234 : vector<64xf32>
    %log3A_236 = math.log %add3A_235 : vector<64xf32>
    %mul3A_237 = arith.mulf %reduce_sum3A_197, %log3A_236 : vector<64xf32>
    %sub3A_238 = arith.subf %mul3A_237, %reduce_sum3A_203 : vector<64xf32>
    %div3A_239 = arith.divf %sub3A_238, %add3A_235 : vector<64xf32>
    %stack3A = vector.shape_cast %div3A : vector<64xf32> to vector<64x1xf32>
    %stack3A_240 = vector.shape_cast %reduce_max3A_204 : vector<64xf32> to vector<64x1xf32>
    %stack3A_241 = vector.shape_cast %reduce_sum3A_197 : vector<64xf32> to vector<64x1xf32>
    %stack3A_242 = vector.shape_cast %sqrt3A_225 : vector<64xf32> to vector<64x1xf32>
    %stack3A_243 = vector.shape_cast %div3A_232 : vector<64xf32> to vector<64x1xf32>
    %stack3A_244 = vector.shape_cast %div3A_239 : vector<64xf32> to vector<64x1xf32>
    %stack3A_245 = tpu.concatenate %stack3A, %stack3A_240, %stack3A_241, %stack3A_242, %stack3A_243, %stack3A_244 in 1 : vector<64x1xf32>, vector<64x1xf32>, vector<64x1xf32>, vector<64x1xf32>, vector<64x1xf32>, vector<64x1xf32> -> vector<64x6xf32>
    %ge3A = arith.constant 3 : i32
    %ge3A_246 = vector.broadcast %ge3A : i32 to vector<64xi32>
    %ge3A_247 = arith.cmpi sge, %get3A_7, %ge3A_246 : vector<64xi32>
    %convert_element_type3A_248 = arith.extui %ge3A_247 : vector<64xi1> to vector<64xi32>
    %convert_element_type3A_249 = arith.sitofp %convert_element_type3A_248 : vector<64xi32> to vector<64xf32>
    %broadcast_in_dim3A_250 = vector.shape_cast %convert_element_type3A_249 : vector<64xf32> to vector<64x1xf32>
    %broadcast_in_dim3A_251 = vector.broadcast %broadcast_in_dim3A_250 : vector<64x1xf32> to vector<64x6xf32>
    %mul3A_252 = arith.mulf %stack3A_245, %broadcast_in_dim3A_251 : vector<64x6xf32>
    %swap3A = arith.constant 0 : index
    %swap3A_253 = arith.constant 0 : index
    %swap3A_254 = vector.load %arg3[%swap3A, %swap3A_253] : memref<64x6xf32, #tpu.memory_space<vmem>>, vector<64x6xf32>
    tpu.vector_store %arg3[%swap3A, %swap3A_253], %mul3A_252 {strides = array<i32>} : memref<64x6xf32, #tpu.memory_space<vmem>>, vector<64x6xf32>,
    return
  }
  func.func @transform_0(%arg0: i32) -> (i32, i32, i32) {
    %c0_i32 = arith.constant 0 : i32
    %c0_i32_0 = arith.constant 0 : i32
    %c0_i32_1 = arith.constant 0 : i32
    return %arg0, %c0_i32, %c0_i32_0 : i32, i32, i32
  }
  func.func @transform_1(%arg0: i32) -> (i32, i32, i32) {
    %c0_i32 = arith.constant 0 : i32
    %c0_i32_0 = arith.constant 0 : i32
    %c0_i32_1 = arith.constant 0 : i32
    return %arg0, %c0_i32, %c0_i32_0 : i32, i32, i32
  }
  func.func @transform_2(%arg0: i32) -> (i32, i32) {
    %c0_i32 = arith.constant 0 : i32
    %c0_i32_0 = arith.constant 0 : i32
    return %arg0, %c0_i32 : i32, i32
  }
}

</mosaic_0001>

<sc_bundles>
// kernel: kernel.6.cloned.1.call-start
scs
__scs_entry_jumppad:
0x0: {  	(pc) =	sbr.rel $0x88, $3  }
0x1: {  	(tag) =	ssettag $0x0;
	lr =	simm.s32 $0x1  }
0x2: {  	[smem:$0x3F9F] =	sst lr;
	_ =	strace $0xD0000000  }
0x3: {  	_ = 	snop  }
0x4: {  	_ = 	snop  }
0x5: {  	_ = 	snop  }
0x6: {  	_ = 	snop  }
0x7: {  	_ = 	snop  }
__scs_overlays_trampoline_lowered:
0x8: {  	[smem:$0x3FAE] =	sst s0  }
0x9: {  	[smem:$0x3FAF] =	sst s1  }
0xa: {  	[smem:$0x3FB0] =	sst s2  }
0xb: {  	[smem:$0x3FB1] =	sst s3  }
0xc: {  	[smem:$0x3FB2] =	sst s4  }
0xd: {  	[smem:$0x3FB3] =	sst s5  }
0xe: {  	[smem:$0x3FB4] =	sst s6  }
0xf: {  	[smem:$0x3FB5] =	sst s7  }
0x10: {  	[smem:$0x3FB6] =	sst s8  }
0x11: {  	[smem:$0x3FB7] =	sst s9;
	s0 =	simm.s32 @!p0 $0x0  }
0x12: {  	s1 =	sld [smem:$0x3F9D];
	s0 =	simm.s32 @p0 $0x1  }
0x13: {  	[smem:$0x3FB8] =	sst s0;
	s0 =	simm.s32 @!p1 $0x0  }
0x14: {  	s2 =	sld [smem:$0x3F9C];
	s0 =	simm.s32 @p1 $0x1  }
0x15: {  	[smem:$0x3FB9] =	sst s0;
	s0 =	simm.s32 @!p2 $0x0  }
0x16: {  	s3 =	sld [smem:$0x3FDB];
	s0 =	simm.s32 @p2 $0x1  }
0x17: {  	s4 =	simm.s32 $0x1BF5;
	[smem:$0x3FBB] =	sst s0  }
0x18: {  	s0 =	sld [smem:$0x3F9E];
	_ =	swait.ge [sflag:s4], $0x0  }
0x19: {  	s7 =	sld [smem:$0x3F9F]  }
0x1a: {  	s8 =	sadd.s32 $0xFFFFE003, lr  }
0x1b: {  	s9 =	sadd.s32 $0xFFFFFEF7, lr;
	s5 =	simm.s32 $0xFFFFFFFF;
	p2 =	slt.u32 s8, $0xFFFFF086  }
0x1c: {  	p1 =	slt.u32 s9, $0xF7A;
	s5 =	simm.s32 @!p2 $0x0  }
0x1d: {  	s5 =	simm.s32 @p1 $0x1;
	p0 =	seq.s32 s7, s2  }
0x1e: {  	s7 =	smul.u32 @!p0 $0xF7A, s2;
	p2 =	seq.s32 @!p0 s5, $0x0  }
0x1f: {  	s9 =	smul.u32 $0xF7A, s1;
	s8 =	simm.s32 @!p0 $0x1BF5;
	p2 =	por !p2, p0  }
0x20: {  	[sflag:s8] =	ssyncset.s32 @!p0 $0xFFFFF086;
	s6 =	sadd.s32 @!p0 s3, s7;
	s7 =	simm.s32 @!p0 $0x108  }
0x21: {  	s3 =	sadd.s32 s3, s9;
	s6 =	sadd.s32 @!p0 $0x88, s6;
	s7 =	simm.s32 @p2 $0x1082  }
0x22: {  	[simem:s7], [sflag:s8] =	dma.local @!p0 [hbm:s6], $0xF7A  }
0x23: {  	s9 =	sor.u32 $0xD0000000, s2;
	s6 =	simm.s32 $0x108;
	_ =	swait.ge @!p0 [sflag:s8], $0x0  }
0x24: {  	s3 =	sadd.s32 $0x88, s3;
	s6 =	simm.s32 @!p1 $0x1082;
	[sflag:s4] =	ssyncset.s32 $0xFFFFF086  }
0x25: {  	[simem:s6], [sflag:s4] =	dma.local [hbm:s3], $0xF7A  }
0x26: {  	[smem:$0x3F9F] =	sst s1;
	(tag) =	ssettag s2;
	_ =	strace s9  }
0x27: {  	s1 =	sld [smem:$0x3FAF]  }
0x28: {  	s2 =	sld [smem:$0x3FB0]  }
0x29: {  	s4 =	sld [smem:$0x3FB2]  }
0x2a: {  	p0 =	seq.s32 s5, $0x0;
	s5 =	sld [smem:$0x3FB3]  }
0x2b: {  	s6 =	sld [smem:$0x3FB4]  }
0x2c: {  	s7 =	sld [smem:$0x3FB5]  }
0x2d: {  	s3 =	simm.s32 $0x108;
	s8 =	sld [smem:$0x3FB6]  }
0x2e: {  	s3 =	simm.s32 @!p0 $0x1082;
	s9 =	sld [smem:$0x3FB7]  }
0x2f: {  	lr =	sadd.s32 s0, s3;
	s0 =	sld [smem:$0x3FAE]  }
0x30: {  	s3 =	sld [smem:$0x3FB1]  }
0x31: {  	[smem:$0x3FBA] =	sst s10  }
0x32: {  	s10 =	sld [smem:$0x3FB8];
	_ =	sdelay $0x3  }
0x33: {  	p0 =	seq.s32 s10, $0x1;
	s10 =	sld [smem:$0x3FBA];
	_ =	sdelay $0x3  }
0x34: {  	[smem:$0x3FBA] =	sst s10  }
0x35: {  	s10 =	sld [smem:$0x3FB9];
	_ =	sdelay $0x3  }
0x36: {  	p1 =	seq.s32 s10, $0x1;
	s10 =	sld [smem:$0x3FBA];
	_ =	sdelay $0x3  }
0x37: {  	[smem:$0x3FBA] =	sst s10  }
0x38: {  	s10 =	sld [smem:$0x3FBB]  }
0x39: {  	_ = 	snop;
	(pc) =	sbr.ind lr, $3  }
0x3a: {  	_ = 	snop  }
0x3b: {  	_ = 	snop  }
0x3c: {  	p2 =	seq.s32 s10, $0x1;
	s10 =	sld [smem:$0x3FBA]  }
0x3d: {  	_ =	shalt  }
0x3e: {  	_ =	shalt  }
0x3f: {  	_ =	shalt  }
0x40: {  	_ =	shalt  }
0x41: {  	_ =	shalt  }
0x42: {  	_ =	shalt  }
0x43: {  	_ =	shalt  }
0x44: {  	_ =	shalt  }
0x45: {  	_ =	shalt  }
0x46: {  	_ =	shalt  }
0x47: {  	_ =	shalt  }
0x48: {  	_ =	shalt  }
0x49: {  	_ =	shalt  }
0x4a: {  	_ =	shalt  }
0x4b: {  	_ =	shalt  }
0x4c: {  	_ =	shalt  }
0x4d: {  	_ =	shalt  }
0x4e: {  	_ =	shalt  }
0x4f: {  	_ =	shalt  }
0x50: {  	_ =	shalt  }
0x51: {  	_ =	shalt  }
0x52: {  	_ =	shalt  }
0x53: {  	_ =	shalt  }
0x54: {  	_ =	shalt  }
0x55: {  	_ =	shalt  }
0x56: {  	_ =	shalt  }
0x57: {  	_ =	shalt  }
0x58: {  	_ =	shalt  }
0x59: {  	_ =	shalt  }
0x5a: {  	_ =	shalt  }
0x5b: {  	_ =	shalt  }
0x5c: {  	_ =	shalt  }
0x5d: {  	_ =	shalt  }
0x5e: {  	_ =	shalt  }
0x5f: {  	_ =	shalt  }
0x60: {  	_ =	shalt  }
0x61: {  	_ =	shalt  }
0x62: {  	_ =	shalt  }
0x63: {  	_ =	shalt  }
0x64: {  	_ =	shalt  }
0x65: {  	_ =	shalt  }
0x66: {  	_ =	shalt  }
0x67: {  	_ =	shalt  }
0x68: {  	_ =	shalt  }
0x69: {  	_ =	shalt  }
0x6a: {  	_ =	shalt  }
0x6b: {  	_ =	shalt  }
0x6c: {  	_ =	shalt  }
0x6d: {  	_ =	shalt  }
0x6e: {  	_ =	shalt  }
0x6f: {  	_ =	shalt  }
0x70: {  	_ =	shalt  }
0x71: {  	_ =	shalt  }
0x72: {  	_ =	shalt  }
0x73: {  	_ =	shalt  }
0x74: {  	_ =	shalt  }
0x75: {  	_ =	shalt  }
0x76: {  	_ =	shalt  }
0x77: {  	_ =	shalt  }
0x78: {  	_ =	shalt  }
0x79: {  	_ =	shalt  }
0x7a: {  	_ =	shalt  }
0x7b: {  	_ =	shalt  }
0x7c: {  	_ =	shalt  }
0x7d: {  	_ =	shalt  }
0x7e: {  	_ =	shalt  }
0x7f: {  	_ =	shalt  }
0x80: {  	_ =	shalt  }
0x81: {  	_ =	shalt  }
0x82: {  	_ =	shalt  }
0x83: {  	_ =	shalt  }
0x84: {  	_ =	shalt  }
0x85: {  	_ =	shalt  }
0x86: {  	_ =	shalt  }
0x87: {  	_ =	shalt  }
.Lfunc_end0:
.L_simem_size_0:
called_computation_lowered:
.L_overlay_start_0:
0x88: {  	s2 =	sld [smem:$0x3FD9]  }
0x89: {  	s3 =	sld [smem:$0x3FFE];
	_ =	sdelay $0x1  }
0x8a: {  	s1 =	srdreg.scid  }
0x8b: {  	s0 =	sand.u32 $0x1, s1  }
0x8c: {  	s16 =	sshll.u32 s0, $0xA;
	s2 =	sadd.s32 s3, s2  }
0x8d: {  	s2 =	sadd.s32 s2, s16  }
0x8e: {  	[smem:$0x3FC6] =	sst s2  }
0x8f: {  	_ = 	snop  }
0x90: {  	(tm) =	ssettm $0x1  }
0x91: {  	s17 =	sld [smem:$0x3FFB];
	_ =	sdelay $0x3  }
0x92: {  	_ =	strace s17  }
0x93: {  	s2 =	sld [smem:$0x3FFC];
	_ =	sdelay $0x3  }
0x94: {  	_ =	strace s2  }
0x95: {  	s2 =	sld [smem:$0x3FFD];
	_ =	sdelay $0x3  }
0x96: {  	_ =	strace s2  }
0x97: {  	_ =	strace $0x8FFFFFFF  }
0x98: {  	s18 =	sld [smem:$0x3FDB];
	_ =	sdelay $0x1  }
0x99: {  	s19 =	simm.s32 $_scs_section_size  }
0x9a: {  	s4 =	simm.s32 $_size__tile_overlayer_lowered;
	s5 =	simm.s32 $_tile_overlayer_lowered  }
0x9b: {  	s22 =	simm.s32 $0x1BFF;
	s21 =	sshll.u32 s5, $0x1;
	s2 =	sadd.s32 s19, s18  }
0x9c: {  	s6 =	simm.s32 $0x0;
	s20 =	sshll.u32 s4, $0x1;
	s4 =	sadd.s32 s21, s2  }
0x9d: {  	[timem:s6], [sflag:s22] =	dma.local [hbm:s4], s20  }
0x9e: {  	_ =	swait.ge [sflag:s22], s20  }
0x9f: {  	s3 =	ssub.s32 $0x0, s20;
	[sflag:s22] =	ssyncset.done $0x0  }
0xa0: {  	[sflag:s22] =	ssyncadd.s32 s3;
	_ =	sdelay $0x1  }
0xa1: {  	s23 =	simm.s32 $0x1B8B  }
0xa2: {  	_ =	swait.ge [sflag:s23], $0x1  }
0xa3: {  	[sflag:s23] =	ssyncset.done $0x0  }
0xa4: {  	s25 =	simm.s32 $0x1B8E;
	s24 =	sld [smem:$0x3FFE];
	[sflag:s23] =	ssyncadd.s32 $0xFFFFFFFF  }
0xa5: {  	s26 =	simm.s32 $execute0_lowered;
	[smem:$0x3FD2] =	sst s25  }
0xa6: {  	s4 =	sshll.u32 s26, $0x1;
	_ =	strace $0x80000046;
	[dreg:$0x1] =	wrdreg $0xFFFFFFFF  }
0xa7: {  	s28 =	simm.s32 $_size_execute0_lowered;
	s2 =	sadd.s32 s2, s4;
	[dreg:$0x0] =	wrdreg $0x0  }
0xa8: {  	s4 =	sshll.u32 s28, $0x1;
	[dreg:$0x2] =	wrdreg s2  }
0xa9: {  	[dreg:$0x3] =	wrdreg s4  }
0xaa: {  	[dreg:$0x4] =	wrdreg $0xC0  }
0xab: {  	_ =	task [dreg:s6], $0x5FFFF  }
0xac: {  	[dreg:$0x1] =	wrdreg $0xFFFFFFFF  }
0xad: {  	[dreg:$0x0] =	wrdreg $0x60  }
0xae: {  	[dreg:$0x2] =	wrdreg s24  }
0xaf: {  	[dreg:$0x3] =	wrdreg $0x9  }
0xb0: {  	_ =	task.clear_ibuf [dreg:s6], $0x4FFFF;
	_ =	strace $0x90000046  }
0xb1: {  	s29 =	simm.s32 $0x9;
	_ =	strace $0x80000048  }
0xb2: {  	_ =	swait.ge [sflag:s29], $0x1  }
0xb3: {  	[sflag:s29] =	ssyncadd.s32 $0xFFFFFFFF  }
0xb4: {  	_ =	strace $0x90000048  }
0xb5: {  	_ =	sfence  }
0xb6: {  	s30 =	sld [smem:$0x0];
	_ =	sdelay $0x2  }
0xb7: {  	s31 =	sshll.u32 s1, $0xD;
	s1 =	sshrl.u32 s1, $0x2  }
0xb8: {  	s3 =	sand.u32 $0x4000, s31;
	s1 =	sadd.s32 s1, s30  }
0xb9: {  	s0 =	sor.u32 s3, s0;
	s1 =	sshll.u32 s1, $0x11  }
0xba: {  	s0 =	sor.u32 s1, s0  }
0xbb: {  	s0 =	sadd.s32 $0x8F2B, s0  }
0xbc: {  	[sflag:s0] =	ssyncadd.remote.s32 $0x1  }
0xbd: {  	_ =	sfence.sel $0xFFFF  }
0xbe: {  	[dreg:$0x0] =	wrdreg $0xFFFFFFFF;
	(pc) =	sbr.abs _section_cstart, $3  }
0xbf: {  	[dreg:$0x1] =	wrdreg $0xFFFFFFFF  }
0xc0: {  	_ =	task.clear_ibuf [dreg:s6], $0x2FFFF;
	_ =	strace $0x9FFFFFFF  }
0xc1: {  	(tm) =	ssettm $0x7FFFFFFF  }
tec
execute0_lowered:
.L_overlay_start_1:
0x0: {  	(tag) =	ssettag $0x1  }
0x1: {  	v1 =	vlaneseq.u32  }
0x2: {  	v4 =	vimm.s32 $0x2380;
	vm0 =	vcmask $0x300;
	vm1 =	vcmask $0x704  }
0x3: {  	vm2 =	vcmask $0xB08;
	v5 =	vimm.s32 $0x6380;
	vm3 =	vcmask $0xF0C  }
0x4: {  	vm15 =	vcmask $0x1310;
	vm6 =	vcmask $0x1714;
	vm7 =	vcmask $0x1B18  }
0x5: {  	vm8 =	vcmask $0x1F1C;
	vm9 =	vcmask $0x2320;
	vm10 =	vcmask $0x2724  }
0x6: {  	s1 =	srdreg.scid;
	vm11 =	vcmask $0x2B28;
	v4 =	vsel vm0, $0x0, v4;
	v5 =	vsel vm0, $0x4000, v5  }
0x7: {  	s0 =	stileid.u32;
	vm12 =	vcmask $0x2F2C;
	s3 =	sand.u32 $0x1, s1;
	v4 =	vsel vm1, $0x80, v4;
	v5 =	vsel vm1, $0x4080, v5  }
0x8: {  	vm13 =	vcmask $0x3330;
	s31 =	sshll.u32 s0, $0x6;
	s2 =	sshll.u32 s3, $0x5;
	v4 =	vsel vm2, $0x100, v4;
	v5 =	vsel vm2, $0x4100, v5  }
0x9: {  	vm14 =	vcmask $0x3734;
	s4 =	sor.u32 s2, s31;
	v4 =	vsel vm3, $0x180, v4;
	v5 =	vsel vm3, $0x4180, v5  }
0xa: {  	v2 =	vor.u32 s4, v1;
	v4 =	vsel vm15, $0x200, v4;
	v5 =	vsel vm15, $0x4200, v5  }
0xb: {  	v0 =	vmov s4;
	v4 =	vsel vm6, $0x280, v4;
	v5 =	vsel vm6, $0x4280, v5  }
0xc: {  	v1 =	vor.u32 $0x10, v1;
	v4 =	vsel vm7, $0x300, v4;
	v5 =	vsel vm7, $0x4300, v5  }
0xd: {  	v2 =	vand.u32 $0x6F, v2;
	v4 =	vsel vm8, $0x380, v4;
	v5 =	vsel vm8, $0x4380, v5  }
0xe: {  	v3 =	vshll.u32 v0, $0x3;
	v4 =	vsel vm9, $0x2000, v4;
	v5 =	vsel vm9, $0x6000, v5  }
0xf: {  	v1 =	vor.u32 s4, v1;
	v4 =	vsel vm10, $0x2080, v4;
	v5 =	vsel vm10, $0x6080, v5  }
0x10: {  	s5 =	rddreg [dreg:$0x0];
	s9 =	simm.s32 $0x0;
	vm15 =	vcmask $0x3B38;
	v4 =	vsel vm11, $0x2100, v4;
	v5 =	vsel vm11, $0x6100, v5  }
0x11: {  	s1 =	rddreg [dreg:$0x1];
	s6 =	ssub.s32 $0x2, s3;
	s2 =	simm.s32 $0x0;
	v3 =	vand.u32 $0x1C00, v3;
	v4 =	vsel vm12, $0x2180, v4;
	v5 =	vsel vm12, $0x6180, v5  }
0x12: {  	s3 =	sadd.s32 $0x1E00, s5;
	s8 =	sshrl.u32 s6, $0x1;
	[smem:$0x7FF] =	sst s2;
	v1 =	vand.u32 $0x7F, v1;
	v4 =	vsel vm13, $0x2200, v4;
	v5 =	vsel vm13, $0x6200, v5  }
0x13: {  	s7 =	sshll.u32 s4, $0x7;
	s6 =	ssub.s32 s6, s8;
	s8 =	simm.s32 $0x1;
	v2 =	vor.u32 v2, v3;
	v4 =	vsel vm14, $0x2280, v4;
	v5 =	vsel vm14, $0x6280, v5  }
0x14: {  	_ =	strace $0x80000047;
	s7 =	sadd.s32 s7, s5;
	s4 =	sadd.s32 $0x2E00, s5;
	v3 =	vor.u32 v1, v3;
	v1 =	vsel vm15, $0x2300, v4;
	v4 =	vsel vm15, $0x6300, v5  }
0x15: {  	s6 =	smax.u32 s6, $0x1;
	s5 =	sadd.s32 $0x3E00, s7;
	s7 =	simm.s32 $0x8000;
	v1 =	vor.u32 v1, v2;
	v2 =	vor.u32 v4, v3;
	v3 =	vimm.f32 $1.000000000e+00  }
.LBB2_1:
0x16: {  	[tilespmem:s7], [sflag:$0x1] =	stream.linear.gather [hbm4b:s4+s2], $0x8000, $0x38;
	[tilespmem:$0x10000] =	vst v63  }
0x17: {  	_ =	swait.ge [sflag:s8], $0x8000  }
0x18: {  	[sflag:s8] =	ssyncset.done $0x0  }
0x19: {  	[sflag:s8] =	ssyncadd.s32 $0xFFFF8000  }
0x1a: {  	[tilespmem:s2], [sflag:$0x1] =	stream.linear.gather [hbm4b:s3+s2], $0x8000, $0x38;
	[tilespmem:$0x10000] =	vst v63  }
0x1b: {  	_ =	swait.ge [sflag:s8], $0x8000  }
0x1c: {  	[sflag:s8] =	ssyncset.done $0x0  }
0x1d: {  	s10 =	simm.s32 $0x4030;
	[sflag:s8] =	ssyncadd.s32 $0xFFFF8000  }
0x1e: {  	s11 =	sand.u32 $0x3FC0, s2;
	v10 =	vld [tilespmem:s10+$0xFFFFBFD0]  }
0x1f: {  	v5 =	vld [tilespmem:s11+$0x4000]  }
0x20: {  	v4 =	vld [tilespmem:s10+$0xFFFFBFE0];
	_ =	sdelay $0x2  }
0x21: {  	v6 =	vshll.u32 v10, $0x3  }
0x22: {  	v7 =	vsub.s32 v10, v0;
	v11 =	vand.u32 $0x7F, v5;
	v8 =	vshll.u32 v5, $0x3  }
0x23: {  	v9 =	vsub.s32 v5, v0;
	v5 =	vld [tilespmem:s10+$0xFFFFBFF0];
	v10 =	vand.u32 $0x7F, v10;
	v24 =	vshll.u32 v4, $0x3  }
0x24: {  	v12 =	vand.u32 $0xFFFFFC00, v6;
	v6 =	vld [tilespmem:s10+$0xFFFFFFE0];
	vm6 =	vlt.u32 v7, $0x20;
	v13 =	vand.u32 $0xFFFFFC00, v8  }
0x25: {  	vm7 =	vlt.u32 v9, $0x20;
	v8 =	vld [tilespmem:s10+$0xFFFFFFF0];
	v24 =	vand.u32 $0xFFFFFC00, v24;
	v7 =	vnsel vm6, $0x0, v7  }
0x26: {  	v16 =	vnsel vm7, $0x0, v9;
	v9 =	vld [tilespmem:s10+$0x0];
	v14 =	vshll.u32 v7, $0xA;
	v15 =	vshll.u32 v7, $0x7  }
0x27: {  	v17 =	vshll.u32 v16, $0xA;
	v16 =	vshll.u32 v16, $0x7;
	v14 =	vand.u32 $0xFFFFE000, v14  }
0x28: {  	v7 =	vld [tilespmem:s10+$0xFFFFC000];
	v15 =	vand.u32 $0x380, v15;
	v13 =	vadd.s32 v13, v14;
	v14 =	vand.u32 $0xFFFFE000, v17  }
0x29: {  	v13 =	vor.u32 v15, v13;
	v12 =	vadd.s32 v12, v14;
	v14 =	vand.u32 $0x380, v16  }
0x2a: {  	v22 =	vshll.u32 v6, $0x3;
	v15 =	vor.u32 v11, v13;
	v11 =	vor.u32 v14, v12  }
0x2b: {  	v12 =	vsub.s32 v5, v0;
	v13 =	vsub.s32 v8, v0;
	v17 =	vsub.s32 v9, v0  }
0x2c: {  	v22 =	vand.u32 $0xFFFFFC00, v22;
	v14 =	vor.u32 v10, v11;
	v10 =	vsub.s32 v4, v0  }
0x2d: {  	v11 =	vsub.s32 v6, v0;
	v16 =	vsub.s32 v7, v0;
	vm3 =	vlt.u32 v12, $0x20  }
0x2e: {  	vm2 =	vlt.u32 v13, $0x20;
	vm1 =	vlt.u32 v17, $0x20;
	v60 =	vshll.u32 v7, $0x3  }
0x2f: {  	vm5 =	vlt.u32 v10, $0x20;
	vm4 =	vlt.u32 v11, $0x20;
	vm0 =	vlt.u32 v16, $0x20  }
0x30: {  	v12 =	vnsel vm3, $0x0, v12;
	v13 =	vnsel vm2, $0x0, v13;
	v17 =	vnsel vm1, $0x0, v17  }
0x31: {  	v18 =	vnsel vm5, $0x0, v10;
	v19 =	vnsel vm4, $0x0, v11;
	v16 =	vnsel vm0, $0x0, v16  }
0x32: {  	v20 =	vshll.u32 v12, $0xA;
	v21 =	vshll.u32 v13, $0xA;
	v25 =	vshll.u32 v17, $0xA  }
0x33: {  	v61 =	vshll.u32 v12, $0x7;
	v27 =	vshll.u32 v13, $0x7;
	v17 =	vshll.u32 v17, $0x7  }
0x34: {  	v10 =	vshll.u32 v18, $0xA;
	v11 =	vshll.u32 v19, $0xA;
	v23 =	vshll.u32 v16, $0xA  }
0x35: {  	v20 =	vand.u32 $0xFFFFE000, v20;
	v21 =	vand.u32 $0xFFFFE000, v21;
	v18 =	vshll.u32 v18, $0x7  }
0x36: {  	v19 =	vshll.u32 v19, $0x7;
	v25 =	vand.u32 $0xFFFFE000, v25;
	v16 =	vshll.u32 v16, $0x7  }
0x37: {  	v17 =	vand.u32 $0x380, v17;
	v10 =	vand.u32 $0xFFFFE000, v10;
	v11 =	vand.u32 $0xFFFFE000, v11  }
0x38: {  	v23 =	vand.u32 $0xFFFFE000, v23;
	v62 =	vand.u32 $0x380, v18;
	v63 =	vand.u32 $0x380, v19  }
0x39: {  	v19 =	vand.u32 $0x380, v61;
	v18 =	vand.u32 $0x380, v27;
	v22 =	vadd.s32 v22, v10  }
0x3a: {  	v10 =	vshll.u32 v8, $0x3;
	v24 =	vadd.s32 v24, v11;
	v11 =	vshll.u32 v5, $0x3  }
0x3b: {  	v16 =	vand.u32 $0x380, v16;
	v10 =	vand.u32 $0xFFFFFC00, v10;
	v26 =	vand.u32 $0xFFFFFC00, v11  }
0x3c: {  	[tilespmem:v15+s7+$0x0] =	vst.idx.msk vm6, v3;
	v15 =	vor.u32 v62, v22;
	v11 =	vadd.s32 v10, v20;
	v20 =	vshll.u32 v9, $0x3  }
0x3d: {  	[tilespmem:v14+s7+$0x0] =	vst.idx.msk vm7, v3;
	v14 =	vor.u32 v63, v24;
	v12 =	vand.u32 $0xFFFFFC00, v20;
	v20 =	vand.u32 $0xFFFFFC00, v60  }
0x3e: {  	s12 =	simm.s32 $0x4070;
	s11 =	simm.s32 $0x40;
	s10 =	simm.s32 $0x0;
	v10 =	vadd.s32 v26, v21;
	v13 =	vadd.s32 v12, v23;
	v12 =	vadd.s32 v20, v25  }
.LBB2_2:
0x3f: {  	v20 =	vld [tilespmem:s12+$0xFFFFBFD0];
	s13 =	sand.u32 $0x3FC0, s11;
	v11 =	vor.u32 v19, v11;
	v10 =	vor.u32 v18, v10;
	v13 =	vor.u32 v16, v13  }
0x40: {  	s10 =	sadd.s32 $0x4, s10;
	v18 =	vand.u32 $0x7F, v6;
	v19 =	vand.u32 $0x7F, v4;
	v12 =	vor.u32 v17, v12;
	v16 =	vld [tilespmem:s13+$0x4000]  }
0x41: {  	v8 =	vand.u32 $0x7F, v8;
	v17 =	vand.u32 $0x7F, v5;
	v9 =	vand.u32 $0x7F, v9;
	p0 =	slt.u32 s10, $0x3FC;
	v4 =	vld [tilespmem:s12+$0xFFFFBFE0]  }
0x42: {  	v7 =	vand.u32 $0x7F, v7;
	v15 =	vor.u32 v18, v15;
	v14 =	vor.u32 v19, v14;
	v6 =	vld [tilespmem:s12+$0xFFFFFFE0]  }
0x43: {  	v11 =	vor.u32 v8, v11;
	v10 =	vor.u32 v17, v10;
	v13 =	vor.u32 v9, v13;
	v5 =	vld [tilespmem:s12+$0xFFFFBFF0]  }
0x44: {  	v12 =	vor.u32 v7, v12;
	v9 =	vshll.u32 v20, $0x3;
	v8 =	vld [tilespmem:s12+$0xFFFFFFF0]  }
0x45: {  	v17 =	vsub.s32 v20, v0;
	v18 =	vand.u32 $0x7F, v16;
	v19 =	vand.u32 $0xFFFFFC00, v9;
	v7 =	vld [tilespmem:s12+$0xFFFFC000]  }
0x46: {  	vm6 =	vlt.u32 v17, $0x20;
	v21 =	vshll.u32 v16, $0x3;
	v16 =	vsub.s32 v16, v0;
	v9 =	vld [tilespmem:s12+$0x0]  }
0x47: {  	v17 =	vnsel vm6, $0x0, v17;
	v21 =	vand.u32 $0xFFFFFC00, v21;
	vm7 =	vlt.u32 v16, $0x20;
	[tilespmem:v15+s7+$0x0] =	vst.idx.msk vm5, v3  }
0x48: {  	v15 =	vshll.u32 v17, $0xA;
	v17 =	vshll.u32 v17, $0x7;
	v16 =	vnsel vm7, $0x0, v16;
	[tilespmem:v14+s7+$0x0] =	vst.idx.msk vm4, v3  }
0x49: {  	v14 =	vand.u32 $0xFFFFE000, v15;
	v15 =	vand.u32 $0x380, v17;
	v17 =	vshll.u32 v16, $0xA;
	[tilespmem:v11+s7+$0x0] =	vst.idx.msk vm3, v3  }
0x4a: {  	v16 =	vshll.u32 v16, $0x7;
	v11 =	vadd.s32 v21, v14;
	v14 =	vand.u32 $0xFFFFE000, v17;
	[tilespmem:v10+s7+$0x0] =	vst.idx.msk vm2, v3  }
0x4b: {  	v10 =	vor.u32 v15, v11;
	v11 =	vadd.s32 v19, v14;
	v14 =	vand.u32 $0x380, v16;
	[tilespmem:v13+s7+$0x0] =	vst.idx.msk vm0, v3  }
0x4c: {  	v10 =	vor.u32 v18, v10;
	v13 =	vand.u32 $0x7F, v20;
	v11 =	vor.u32 v14, v11;
	[tilespmem:v12+s7+$0x0] =	vst.idx.msk vm1, v3  }
0x4d: {  	v11 =	vor.u32 v13, v11;
	v12 =	vsub.s32 v4, v0;
	v13 =	vsub.s32 v6, v0  }
0x4e: {  	v15 =	vsub.s32 v8, v0;
	v16 =	vsub.s32 v7, v0;
	v14 =	vsub.s32 v5, v0  }
0x4f: {  	v17 =	vsub.s32 v9, v0;
	vm5 =	vlt.u32 v12, $0x20;
	vm4 =	vlt.u32 v13, $0x20  }
0x50: {  	vm2 =	vlt.u32 v15, $0x20;
	vm0 =	vlt.u32 v16, $0x20;
	vm3 =	vlt.u32 v14, $0x20  }
0x51: {  	vm1 =	vlt.u32 v17, $0x20;
	[tilespmem:v10+s7+$0x0] =	vst.idx.msk vm6, v3;
	v10 =	vnsel vm5, $0x0, v12;
	v12 =	vnsel vm4, $0x0, v13  }
0x52: {  	v13 =	vnsel vm2, $0x0, v15;
	[tilespmem:v11+s7+$0x0] =	vst.idx.msk vm7, v3;
	v11 =	vnsel vm3, $0x0, v14;
	v14 =	vnsel vm0, $0x0, v16  }
0x53: {  	v17 =	vnsel vm1, $0x0, v17;
	v15 =	vshll.u32 v10, $0xA;
	v16 =	vshll.u32 v12, $0xA  }
0x54: {  	v19 =	vshll.u32 v13, $0xA;
	v18 =	vshll.u32 v11, $0xA;
	v20 =	vshll.u32 v14, $0xA  }
0x55: {  	v22 =	vshll.u32 v4, $0x3;
	v21 =	vshll.u32 v6, $0x3;
	v23 =	vshll.u32 v17, $0xA  }
0x56: {  	v25 =	vshll.u32 v5, $0x3;
	v24 =	vshll.u32 v8, $0x3;
	v26 =	vshll.u32 v9, $0x3  }
0x57: {  	v27 =	vshll.u32 v7, $0x3;
	v15 =	vand.u32 $0xFFFFE000, v15;
	v16 =	vand.u32 $0xFFFFE000, v16  }
0x58: {  	v19 =	vand.u32 $0xFFFFE000, v19;
	v18 =	vand.u32 $0xFFFFE000, v18;
	v20 =	vand.u32 $0xFFFFE000, v20  }
0x59: {  	v23 =	vand.u32 $0xFFFFE000, v23;
	v28 =	vshll.u32 v10, $0x7;
	v12 =	vshll.u32 v12, $0x7  }
0x5a: {  	v30 =	vshll.u32 v13, $0x7;
	v29 =	vshll.u32 v11, $0x7;
	v14 =	vshll.u32 v14, $0x7  }
0x5b: {  	v17 =	vshll.u32 v17, $0x7;
	v10 =	vand.u32 $0xFFFFFC00, v21;
	v11 =	vand.u32 $0xFFFFFC00, v22  }
0x5c: {  	v13 =	vand.u32 $0xFFFFFC00, v24;
	v21 =	vand.u32 $0xFFFFFC00, v25;
	v22 =	vand.u32 $0xFFFFFC00, v26  }
.Ltmp0:
0x5d: {  	v15 =	vadd.s32 v10, v15;
	v24 =	vadd.s32 v11, v16;
	v16 =	vand.u32 $0xFFFFFC00, v27;
	(pc) =	sbr.rel @p0 .LBB2_2-.Ltmp0, $4  }
0x5e: {  	v10 =	vadd.s32 v21, v19;
	v11 =	vadd.s32 v13, v18;
	v13 =	vadd.s32 v22, v20  }
0x5f: {  	v21 =	vand.u32 $0x380, v12;
	v20 =	vand.u32 $0x380, v28;
	v12 =	vadd.s32 v16, v23  }
0x60: {  	v19 =	vand.u32 $0x380, v29;
	v18 =	vand.u32 $0x380, v30;
	v16 =	vand.u32 $0x380, v14  }
0x61: {  	s11 =	sadd.s32 $0x40, s11;
	s12 =	sadd.s32 $0x40, s12;
	v17 =	vand.u32 $0x380, v17;
	v14 =	vor.u32 v21, v24;
	v15 =	vor.u32 v20, v15  }
0x62: {  	v6 =	vand.u32 $0x7F, v6  }
0x63: {  	v11 =	vor.u32 v19, v11;
	v8 =	vand.u32 $0x7F, v8;
	v6 =	vor.u32 v6, v15  }
0x64: {  	v62 =	vor.u32 v16, v13;
	v9 =	vand.u32 $0x7F, v9;
	v8 =	vor.u32 v8, v11  }
0x65: {  	v4 =	vand.u32 $0x7F, v4;
	v9 =	vor.u32 v9, v62  }
0x66: {  	v10 =	vor.u32 v18, v10;
	v5 =	vand.u32 $0x7F, v5;
	v4 =	vor.u32 v4, v14  }
0x67: {  	v63 =	vor.u32 v17, v12;
	v7 =	vand.u32 $0x7F, v7;
	v5 =	vor.u32 v5, v10  }
0x68: {  	v7 =	vor.u32 v7, v63;
	[tilespmem:v6+s7+$0x0] =	vst.idx.msk vm5, v3  }
0x69: {  	[tilespmem:v8+s7+$0x0] =	vst.idx.msk vm3, v3  }
0x6a: {  	[tilespmem:v9+s7+$0x0] =	vst.idx.msk vm0, v3  }
0x6b: {  	[tilespmem:v4+s7+$0x0] =	vst.idx.msk vm4, v3  }
0x6c: {  	[tilespmem:v5+s7+$0x0] =	vst.idx.msk vm2, v3  }
0x6d: {  	s9 =	sadd.s32 $0x1, s9;
	[tilespmem:v7+s7+$0x0] =	vst.idx.msk vm1, v3  }
0x6e: {  	p0 =	sne.s32 s9, s6;
	[tilespmem:v1+s7+$0x0] =	vst.idx.msk $0xffff, v3  }
.Ltmp1:
0x6f: {  	[tilespmem:v2+s7+$0x0] =	vst.idx.msk $0xffff, v3;
	(pc) =	sbr.rel @p0 .LBB2_1-.Ltmp1, $4  }
0x70: {  	[hbm4b:s5+s2] =	stream.linear.scatter [tilespmem:s7], [sflag:$0x1], $0x8000, $0x38;
	[tilespmem:$0x10000] =	vst v63  }
0x71: {  	_ =	swait.ge [sflag:s8], $0x8000  }
0x72: {  	[sflag:s8] =	ssyncset.done $0x0  }
0x73: {  	[sflag:s8] =	ssyncadd.s32 $0xFFFF8000  }
0x74: {  	_ =	sfence.sel $0x180000  }
0x75: {  	[bflag:$0x0] =	sbarrier.arrive $0xFFFF  }
0x76: {  	p0 =	sne.s32 s0, $0x0;
	_ =	strace $0x90000047  }
0x77: {  	s0 =	sadd.s32 @!p0 $0x100000, s1;
	[bflag:$0x2] =	sbarrier.arrive $0xFFFF  }
0x78: {  	[sflag:s0] =	ssyncadd.tile.s32 @!p0 $0x1;
	_ =	shalt  }
.Lfunc_end2:
_tile_overlayer_lowered:
.L_overlay_start_2:
0x79: {  	(tag) =	ssettag $0x2  }
0x7a: {  	s0 =	rddreg [dreg:$0x0];
	s2 =	stileid.u32  }
0x7b: {  	s1 =	rddreg [dreg:$0x1];
	p0 =	sne.s32 s2, $0x0  }
0x7c: {  	s3 =	rddreg [dreg:$0x2];
	[bflag:$0x3] =	sbarrier.arrive $0xFFFF;
	s2 =	simm.s32 @!p0 $0x1C01  }
0x7d: {  	[timem:s3], [sflag:s2] =	dma.local @!p0 [hbm:s0], s1  }
0x7e: {  	s0 =	simm.s32 @!p0 $0x1  }
0x7f: {  	_ =	swait.ge @!p0 [sflag:s0], s1  }
0x80: {  	s1 =	ssub.s32 @!p0 $0x0, s1;
	[sflag:s0] =	ssyncset.done @!p0 $0x0  }
0x81: {  	[sflag:s0] =	ssyncadd.s32 @!p0 s1  }
0x82: {  	[bflag:$0x3] =	sbarrier.arrive $0xFFFF  }
0x83: {  	_ =	shalt  }

// kernel: select_gather_h0.3.cloned.1.call-start
scs
__scs_entry_jumppad:
0x0: {  	(pc) =	sbr.rel $0x88, $3  }
0x1: {  	(tag) =	ssettag $0x0;
	lr =	simm.s32 $0x1  }
0x2: {  	[smem:$0x3F9F] =	sst lr;
	_ =	strace $0xD0000000  }
0x3: {  	_ = 	snop  }
0x4: {  	_ = 	snop  }
0x5: {  	_ = 	snop  }
0x6: {  	_ = 	snop  }
0x7: {  	_ = 	snop  }
__scs_overlays_trampoline_lowered:
0x8: {  	[smem:$0x3FAE] =	sst s0  }
0x9: {  	[smem:$0x3FAF] =	sst s1  }
0xa: {  	[smem:$0x3FB0] =	sst s2  }
0xb: {  	[smem:$0x3FB1] =	sst s3  }
0xc: {  	[smem:$0x3FB2] =	sst s4  }
0xd: {  	[smem:$0x3FB3] =	sst s5  }
0xe: {  	[smem:$0x3FB4] =	sst s6  }
0xf: {  	[smem:$0x3FB5] =	sst s7  }
0x10: {  	[smem:$0x3FB6] =	sst s8  }
0x11: {  	[smem:$0x3FB7] =	sst s9;
	s0 =	simm.s32 @!p0 $0x0  }
0x12: {  	s1 =	sld [smem:$0x3F9D];
	s0 =	simm.s32 @p0 $0x1  }
0x13: {  	[smem:$0x3FB8] =	sst s0;
	s0 =	simm.s32 @!p1 $0x0  }
0x14: {  	s2 =	sld [smem:$0x3F9C];
	s0 =	simm.s32 @p1 $0x1  }
0x15: {  	[smem:$0x3FB9] =	sst s0;
	s0 =	simm.s32 @!p2 $0x0  }
0x16: {  	s3 =	sld [smem:$0x3FDB];
	s0 =	simm.s32 @p2 $0x1  }
0x17: {  	s4 =	simm.s32 $0x1BF5;
	[smem:$0x3FBB] =	sst s0  }
0x18: {  	s0 =	sld [smem:$0x3F9E];
	_ =	swait.ge [sflag:s4], $0x0  }
0x19: {  	s7 =	sld [smem:$0x3F9F]  }
0x1a: {  	s8 =	sadd.s32 $0xFFFFE003, lr  }
0x1b: {  	s9 =	sadd.s32 $0xFFFFFEF7, lr;
	s5 =	simm.s32 $0xFFFFFFFF;
	p2 =	slt.u32 s8, $0xFFFFF086  }
0x1c: {  	p1 =	slt.u32 s9, $0xF7A;
	s5 =	simm.s32 @!p2 $0x0  }
0x1d: {  	s5 =	simm.s32 @p1 $0x1;
	p0 =	seq.s32 s7, s2  }
0x1e: {  	s7 =	smul.u32 @!p0 $0xF7A, s2;
	p2 =	seq.s32 @!p0 s5, $0x0  }
0x1f: {  	s9 =	smul.u32 $0xF7A, s1;
	s8 =	simm.s32 @!p0 $0x1BF5;
	p2 =	por !p2, p0  }
0x20: {  	[sflag:s8] =	ssyncset.s32 @!p0 $0xFFFFF086;
	s6 =	sadd.s32 @!p0 s3, s7;
	s7 =	simm.s32 @!p0 $0x108  }
0x21: {  	s3 =	sadd.s32 s3, s9;
	s6 =	sadd.s32 @!p0 $0x88, s6;
	s7 =	simm.s32 @p2 $0x1082  }
0x22: {  	[simem:s7], [sflag:s8] =	dma.local @!p0 [hbm:s6], $0xF7A  }
0x23: {  	s9 =	sor.u32 $0xD0000000, s2;
	s6 =	simm.s32 $0x108;
	_ =	swait.ge @!p0 [sflag:s8], $0x0  }
0x24: {  	s3 =	sadd.s32 $0x88, s3;
	s6 =	simm.s32 @!p1 $0x1082;
	[sflag:s4] =	ssyncset.s32 $0xFFFFF086  }
0x25: {  	[simem:s6], [sflag:s4] =	dma.local [hbm:s3], $0xF7A  }
0x26: {  	[smem:$0x3F9F] =	sst s1;
	(tag) =	ssettag s2;
	_ =	strace s9  }
0x27: {  	s1 =	sld [smem:$0x3FAF]  }
0x28: {  	s2 =	sld [smem:$0x3FB0]  }
0x29: {  	s4 =	sld [smem:$0x3FB2]  }
0x2a: {  	p0 =	seq.s32 s5, $0x0;
	s5 =	sld [smem:$0x3FB3]  }
0x2b: {  	s6 =	sld [smem:$0x3FB4]  }
0x2c: {  	s7 =	sld [smem:$0x3FB5]  }
0x2d: {  	s3 =	simm.s32 $0x108;
	s8 =	sld [smem:$0x3FB6]  }
0x2e: {  	s3 =	simm.s32 @!p0 $0x1082;
	s9 =	sld [smem:$0x3FB7]  }
0x2f: {  	lr =	sadd.s32 s0, s3;
	s0 =	sld [smem:$0x3FAE]  }
0x30: {  	s3 =	sld [smem:$0x3FB1]  }
0x31: {  	[smem:$0x3FBA] =	sst s10  }
0x32: {  	s10 =	sld [smem:$0x3FB8];
	_ =	sdelay $0x3  }
0x33: {  	p0 =	seq.s32 s10, $0x1;
	s10 =	sld [smem:$0x3FBA];
	_ =	sdelay $0x3  }
0x34: {  	[smem:$0x3FBA] =	sst s10  }
0x35: {  	s10 =	sld [smem:$0x3FB9];
	_ =	sdelay $0x3  }
0x36: {  	p1 =	seq.s32 s10, $0x1;
	s10 =	sld [smem:$0x3FBA];
	_ =	sdelay $0x3  }
0x37: {  	[smem:$0x3FBA] =	sst s10  }
0x38: {  	s10 =	sld [smem:$0x3FBB]  }
0x39: {  	_ = 	snop;
	(pc) =	sbr.ind lr, $3  }
0x3a: {  	_ = 	snop  }
0x3b: {  	_ = 	snop  }
0x3c: {  	p2 =	seq.s32 s10, $0x1;
	s10 =	sld [smem:$0x3FBA]  }
0x3d: {  	_ =	shalt  }
0x3e: {  	_ =	shalt  }
0x3f: {  	_ =	shalt  }
0x40: {  	_ =	shalt  }
0x41: {  	_ =	shalt  }
0x42: {  	_ =	shalt  }
0x43: {  	_ =	shalt  }
0x44: {  	_ =	shalt  }
0x45: {  	_ =	shalt  }
0x46: {  	_ =	shalt  }
0x47: {  	_ =	shalt  }
0x48: {  	_ =	shalt  }
0x49: {  	_ =	shalt  }
0x4a: {  	_ =	shalt  }
0x4b: {  	_ =	shalt  }
0x4c: {  	_ =	shalt  }
0x4d: {  	_ =	shalt  }
0x4e: {  	_ =	shalt  }
0x4f: {  	_ =	shalt  }
0x50: {  	_ =	shalt  }
0x51: {  	_ =	shalt  }
0x52: {  	_ =	shalt  }
0x53: {  	_ =	shalt  }
0x54: {  	_ =	shalt  }
0x55: {  	_ =	shalt  }
0x56: {  	_ =	shalt  }
0x57: {  	_ =	shalt  }
0x58: {  	_ =	shalt  }
0x59: {  	_ =	shalt  }
0x5a: {  	_ =	shalt  }
0x5b: {  	_ =	shalt  }
0x5c: {  	_ =	shalt  }
0x5d: {  	_ =	shalt  }
0x5e: {  	_ =	shalt  }
0x5f: {  	_ =	shalt  }
0x60: {  	_ =	shalt  }
0x61: {  	_ =	shalt  }
0x62: {  	_ =	shalt  }
0x63: {  	_ =	shalt  }
0x64: {  	_ =	shalt  }
0x65: {  	_ =	shalt  }
0x66: {  	_ =	shalt  }
0x67: {  	_ =	shalt  }
0x68: {  	_ =	shalt  }
0x69: {  	_ =	shalt  }
0x6a: {  	_ =	shalt  }
0x6b: {  	_ =	shalt  }
0x6c: {  	_ =	shalt  }
0x6d: {  	_ =	shalt  }
0x6e: {  	_ =	shalt  }
0x6f: {  	_ =	shalt  }
0x70: {  	_ =	shalt  }
0x71: {  	_ =	shalt  }
0x72: {  	_ =	shalt  }
0x73: {  	_ =	shalt  }
0x74: {  	_ =	shalt  }
0x75: {  	_ =	shalt  }
0x76: {  	_ =	shalt  }
0x77: {  	_ =	shalt  }
0x78: {  	_ =	shalt  }
0x79: {  	_ =	shalt  }
0x7a: {  	_ =	shalt  }
0x7b: {  	_ =	shalt  }
0x7c: {  	_ =	shalt  }
0x7d: {  	_ =	shalt  }
0x7e: {  	_ =	shalt  }
0x7f: {  	_ =	shalt  }
0x80: {  	_ =	shalt  }
0x81: {  	_ =	shalt  }
0x82: {  	_ =	shalt  }
0x83: {  	_ =	shalt  }
0x84: {  	_ =	shalt  }
0x85: {  	_ =	shalt  }
0x86: {  	_ =	shalt  }
0x87: {  	_ =	shalt  }
.Lfunc_end0:
.L_simem_size_0:
called_computation.1_lowered:
.L_overlay_start_0:
0x88: {  	s2 =	sld [smem:$0x3FD9]  }
0x89: {  	s3 =	sld [smem:$0x3FFE];
	_ =	sdelay $0x1  }
0x8a: {  	s1 =	srdreg.scid  }
0x8b: {  	s0 =	sand.u32 $0x1, s1  }
0x8c: {  	s17 =	sshll.u32 s0, $0xA;
	s2 =	sadd.s32 s3, s2  }
0x8d: {  	s2 =	sadd.s32 s2, s17  }
0x8e: {  	[smem:$0x3FC6] =	sst s2  }
0x8f: {  	_ = 	snop  }
0x90: {  	s18 =	sld [smem:$0x3FC9]  }
0x91: {  	s4 =	sld [smem:$0x3FD0];
	(tm) =	ssettm $0x1  }
0x92: {  	s19 =	sld [smem:$0x3FFB];
	_ =	sdelay $0x3  }
0x93: {  	_ =	strace s19  }
0x94: {  	s2 =	sld [smem:$0x3FFC];
	_ =	sdelay $0x3  }
0x95: {  	_ =	strace s2  }
0x96: {  	s2 =	sld [smem:$0x3FFD];
	_ =	sdelay $0x3  }
0x97: {  	_ =	strace s2  }
0x98: {  	_ =	strace $0x8FFFFFFF  }
0x99: {  	s20 =	sld [smem:$0x3FDB];
	_ =	sdelay $0x1  }
0x9a: {  	s5 =	simm.s32 $_scs_section_size  }
0x9b: {  	s6 =	simm.s32 $_size__tile_overlayer_lowered;
	s7 =	simm.s32 $_tile_overlayer_lowered  }
0x9c: {  	s8 =	simm.s32 $0x1BFF;
	s21 =	sshll.u32 s7, $0x1;
	s5 =	sadd.s32 s5, s20  }
0x9d: {  	s22 =	simm.s32 $0x0;
	s6 =	sshll.u32 s6, $0x1;
	s7 =	sadd.s32 s21, s5  }
0x9e: {  	[timem:s22], [sflag:s8] =	dma.local [hbm:s7], s6  }
0x9f: {  	_ =	swait.ge [sflag:s8], s6  }
0xa0: {  	s6 =	ssub.s32 $0x0, s6;
	[sflag:s8] =	ssyncset.done $0x0  }
0xa1: {  	[sflag:s8] =	ssyncadd.s32 s6;
	_ =	sdelay $0x1  }
0xa2: {  	s23 =	simm.s32 $0x1B8B  }
0xa3: {  	_ =	swait.ge [sflag:s23], $0x1  }
0xa4: {  	[sflag:s23] =	ssyncset.done $0x0  }
0xa5: {  	[sflag:s23] =	ssyncadd.s32 $0xFFFFFFFF  }
0xa6: {  	s6 =	sld [smem:$0x0]  }
0xa7: {  	s7 =	sand.u32 $0xFFFFFFFE, s1  }
0xa8: {  	p0 =	sne.s32 s1, s7  }
0xa9: {  	s7 =	sshll.u32 @p0 s7, $0xE  }
0xaa: {  	s7 =	sadd.s32 @p0 $0x11B8D, s7;
	s8 =	sshll.u32 @p0 s6, $0x11  }
0xab: {  	s7 =	sor.u32 @p0 s8, s7  }
0xac: {  	[sflag:s7] =	ssyncadd.remote.s32 @p0 $0x1;
	_ =	sdelay $0x1  }
0xad: {  	s7 =	simm.s32 @p0 $0x1B8D  }
0xae: {  	_ =	swait.eq @p0 [sflag:s7], $0x1  }
0xaf: {  	[sflag:s7] =	ssyncadd.s32 @p0 $0xFFFFFFFF  }
0xb0: {  	s8 =	sshll.u32 @!p0 s1, $0xE  }
0xb1: {  	s8 =	sor.u32 @!p0 $0x4000, s8;
	s7 =	simm.s32 @!p0 $0x1B8D  }
0xb2: {  	s6 =	sshll.u32 @!p0 s6, $0x11;
	s8 =	sadd.s32 @!p0 $0x11B8D, s8;
	_ =	swait.eq @!p0 [sflag:s7], $0x1  }
0xb3: {  	s6 =	sor.u32 @!p0 s6, s8;
	[sflag:s7] =	ssyncadd.s32 @!p0 $0xFFFFFFFF  }
0xb4: {  	s25 =	simm.s32 $0x1B8E;
	s24 =	sld [smem:$0x3FFE];
	[sflag:s6] =	ssyncadd.remote.s32 @!p0 $0x1  }
0xb5: {  	s26 =	simm.s32 $execute0_lowered;
	[smem:$0x3FD2] =	sst s25  }
0xb6: {  	s7 =	sshll.u32 s26, $0x1;
	_ =	strace $0x8000004C;
	[dreg:$0x1] =	wrdreg $0xFFFFFFFF  }
0xb7: {  	s28 =	simm.s32 $_size_execute0_lowered;
	s5 =	sadd.s32 s5, s7;
	[dreg:$0x0] =	wrdreg $0x0  }
0xb8: {  	s7 =	sshll.u32 s28, $0x1;
	[dreg:$0x2] =	wrdreg s5  }
0xb9: {  	[dreg:$0x3] =	wrdreg s7  }
0xba: {  	[dreg:$0x4] =	wrdreg $0xC0  }
0xbb: {  	_ =	task [dreg:s22], $0x5FFFF  }
0xbc: {  	[dreg:$0x1] =	wrdreg $0xFFFFFFFF  }
0xbd: {  	[dreg:$0x0] =	wrdreg $0x60  }
0xbe: {  	[dreg:$0x2] =	wrdreg s24  }
0xbf: {  	[dreg:$0x3] =	wrdreg s18  }
0xc0: {  	[dreg:$0x4] =	wrdreg s4  }
0xc1: {  	[dreg:$0x5] =	wrdreg $0x9  }
0xc2: {  	_ =	task.clear_ibuf [dreg:s22], $0x6FFFF;
	_ =	strace $0x9000004C  }
0xc3: {  	s29 =	simm.s32 $0x9;
	_ =	strace $0x8000004E  }
0xc4: {  	_ =	swait.ge [sflag:s29], $0x1  }
0xc5: {  	[sflag:s29] =	ssyncadd.s32 $0xFFFFFFFF  }
0xc6: {  	_ =	strace $0x9000004E  }
0xc7: {  	_ =	sfence  }
0xc8: {  	s30 =	sld [smem:$0x0];
	_ =	sdelay $0x2  }
0xc9: {  	s31 =	sshll.u32 s1, $0xD;
	s1 =	sshrl.u32 s1, $0x2  }
0xca: {  	s4 =	sand.u32 $0x4000, s31;
	s1 =	sadd.s32 s1, s30  }
0xcb: {  	s0 =	sor.u32 s4, s0;
	s1 =	sshll.u32 s1, $0x11  }
0xcc: {  	s0 =	sor.u32 s1, s0  }
0xcd: {  	s0 =	sadd.s32 $0x8F2B, s0  }
0xce: {  	[sflag:s0] =	ssyncadd.remote.s32 $0x1  }
0xcf: {  	_ =	sfence.sel $0xFFFF  }
0xd0: {  	[dreg:$0x0] =	wrdreg $0xFFFFFFFF;
	(pc) =	sbr.abs _section_cstart, $3  }
0xd1: {  	[dreg:$0x1] =	wrdreg $0xFFFFFFFF  }
0xd2: {  	_ =	task.clear_ibuf [dreg:s22], $0x2FFFF;
	_ =	strace $0x9FFFFFFF  }
0xd3: {  	(tm) =	ssettm $0x7FFFFFFF  }
tec
execute0_lowered:
.L_overlay_start_1:
0x0: {  	(tag) =	ssettag $0x1  }
0x1: {  	s4 =	rddreg [dreg:$0x0]  }
0x2: {  	s1 =	rddreg [dreg:$0x1]  }
0x3: {  	s9 =	rddreg [dreg:$0x2]  }
0x4: {  	s0 =	rddreg [dreg:$0x3];
	s3 =	simm.s32 $0x0;
	s5 =	srdreg.scid  }
0x5: {  	s2 =	stileid.u32;
	s13 =	simm.s32 $0x8280;
	s14 =	simm.s32 $0x100  }
0x6: {  	s15 =	simm.s32 $0x8000;
	s16 =	simm.s32 $0x8300;
	s17 =	simm.s32 $0x1  }
0x7: {  	s18 =	simm.s32 $0x8100;
	s5 =	sand.u32 $0x1, s5;
	s6 =	sshll.u32 s2, $0x1  }
0x8: {  	s19 =	simm.s32 $0x0;
	[smem:$0x7FF] =	sst s3;
	s8 =	sor.u32 s5, s6  }
0x9: {  	_ =	strace $0x8000004D;
	s5 =	ssub.s32 $0x2, s5;
	s6 =	sshll.u32 s8, $0xB  }
0xa: {  	s7 =	sshll.u32 s8, $0xD;
	s31 =	sshrl.u32 s5, $0x1;
	s12 =	sshll.u32 s8, $0x1  }
0xb: {  	s6 =	sadd.s32 s6, s4;
	s10 =	sadd.s32 s7, s4;
	s11 =	ssub.s32 s5, s31  }
0xc: {  	s4 =	sshll.u32 s8, $0x4;
	s9 =	sadd.s32 s9, s12;
	s12 =	simm.s32 $0x4000  }
0xd: {  	s5 =	sadd.s32 $0x1E00, s6;
	s6 =	sadd.s32 $0x21E00, s6;
	s7 =	sadd.s32 $0xA2000, s10  }
0xe: {  	v0 =	vimm.s32 $0x0;
	s8 =	sadd.s32 $0xA3000, s10;
	s10 =	smax.u32 s11, $0x1;
	s11 =	simm.s32 $0x2  }
.LBB2_1:
0xf: {  	[tilespmem:s3], [sflag:$0x2] =	stream.linear.gather [hbm4b:s5+s3], $0x4000, $0x38;
	[tilespmem:$0x10300] =	vst v63  }
0x10: {  	_ =	swait.ge [sflag:s11], $0x4000  }
0x11: {  	[sflag:s11] =	ssyncset.done $0x0  }
0x12: {  	[sflag:s11] =	ssyncadd.s32 $0xFFFFC000  }
0x13: {  	[tilespmem:s12], [sflag:$0x2] =	stream.linear.gather [hbm4b:s6+s3], $0x4000, $0x38;
	[tilespmem:$0x10300] =	vst v63  }
0x14: {  	_ =	swait.ge [sflag:s11], $0x4000  }
0x15: {  	[sflag:s11] =	ssyncset.done $0x0  }
0x16: {  	s20 =	simm.s32 $0x0;
	[sflag:s11] =	ssyncadd.s32 $0xFFFFC000  }
.LBB2_2:
0x17: {  	s21 =	sor.u32 s4, s20;
	s22 =	sshll.u32 s20, $0x5;
	v1 =	vmov s20  }
0x18: {  	s23 =	sshll.u32 s20, $0xA;
	v2 =	vmov s21;
	s22 =	sand.u32 $0x3FFFFFE0, s22;
	v3 =	vshll.u32 v1, $0x7  }
0x19: {  	s24 =	simm.s32 $0x0;
	s30 =	sand.u32 $0x3FFFFC00, s23;
	s31 =	sadd.s32 $0x8000, s22;
	[tilespmem:s22+$0x8000] =	vst v2;
	v3 =	vand.u32 $0x380, v3  }
0x1a: {  	s23 =	simm.s32 $0x0;
	s21 =	sadd.s32 $0x4000, s30;
	[tilespmem:s22+$0x8010] =	vst v2;
	s22 =	simm.s32 $0x0;
	v2 =	vbroadcast v3, $0x0;
	v3 =	vmov s31  }
.LBB2_3:
0x1b: {  	s25 =	sand.u32 $0x380, s23  }
0x1c: {  	s26 =	sand.u32 $0x70, s23;
	s25 =	sadd.s32 s25, s21  }
0x1d: {  	s25 =	sadd.s32 s26, s25  }
0x1e: {  	v4 =	vld [tilespmem:s25+$0x0];
	_ =	sdelay $0x4  }
0x1f: {  	v5 =	vand.u32 $0x7F, v4;
	v6 =	vshll.u32 v4, $0x3  }
0x20: {  	v6 =	vand.u32 $0xFFFFFC00, v6;
	v5 =	vor.u32 v2, v5  }
0x21: {  	v5 =	vor.u32 v6, v5;
	_ =	sdelay $0x4  }
0x22: {  	v5 =	vld.idx.msk [tilespmem:v5+s3+$0x0], $0xffff;
	_ =	sdelay $0x4  }
0x23: {  	vm0 =	vgt.f32 v5, $0.0e+00  }
0x24: {  	v5 =	vsel vm0, $0x1, v0  }
0x25: {  	(xrf0) =	vadd.scan.msk.s32 $0xffff, v5;
	_ =	sdelay $0x5  }
0x26: {  	v5, _, _ =	vpop (xrf0)  }
0x27: {  	v5 =	vadd.s32 s22, v5  }
0x28: {  	vm1 =	vlt.s32 v5, $0x1F  }
0x29: {  	vm0 =	vmand vm0, vm1  }
0x2a: {  	v5 =	vsel vm0, $0x1, v0  }
0x2b: {  	(xrf0) =	vadd.scan.msk.s32 $0xffff, v5;
	_ =	sdelay $0x5  }
0x2c: {  	v5, _, _ =	vpop (xrf0)  }
0x2d: {  	(v2sf) =	vpush v5, $0xF;
	_ =	sdelay $0xe  }
0x2e: {  	s31 =	spop (v2sf)  }
0x2f: {  	p0 =	sgt.u32 s24, $0x3E;
	[tilespmem:v3+s22+$0x0 ss:$0x1] =	vst.idx.msk vm0, v4;
	s22 =	sadd.s32 s22, s31  }
0x30: {  	p1 =	slt.s32 @!p0 s22, $0x1E  }
0x31: {  	p0 =	por p0, !p1  }
.Ltmp0:
0x32: {  	_ = 	snop;
	(pc) =	sbr.rel @!p0 .LBB2_3-.Ltmp0, $2  }
0x33: {  	_ =	sdelay $0x2  }
0x34: {  	s24 =	sadd.s32 $0x1, s24;
	s23 =	sadd.s32 $0x10, s23  }
0x35: {  	v1 =	vbroadcast v1, $0x0;
	s20 =	sadd.s32 $0x1, s20  }
0x36: {  	p0 =	sne.s32 s20, $0x8  }
.Ltmp1:
0x37: {  	_ = 	snop;
	(pc) =	sbr.rel @p0 .LBB2_2-.Ltmp1, $3  }
0x38: {  	_ =	sdelay $0x1  }
0x39: {  	v2 =	vmov s22  }
0x3a: {  	[tilespmem:v1+s13+$0x0] =	vst.idx.msk $0x1, v2  }
0x3b: {  	[tilespmem:s16], [sflag:$0x1] =	stream.indirect.gather [hbm4b:s1+s14], $0x80, s15, s14, $0xb8;
	[tilespmem:$0x10300] =	vst v63  }
0x3c: {  	s20 =	simm.s32 $0x8  }
.LBB2_6:
0x3d: {  	s21 =	sor.u32 s4, s20;
	s22 =	sshll.u32 s20, $0x5;
	v1 =	vmov s20  }
0x3e: {  	s23 =	sshll.u32 s20, $0xA;
	v2 =	vmov s21;
	s22 =	sand.u32 $0x3FFFFFE0, s22;
	v3 =	vshll.u32 v1, $0xA;
	v4 =	vshll.u32 v1, $0x7  }
0x3f: {  	s24 =	simm.s32 $0x0;
	s30 =	sand.u32 $0x3FFFFC00, s23;
	s31 =	sadd.s32 $0x8000, s22;
	[tilespmem:s22+$0x8000] =	vst v2;
	v3 =	vand.u32 $0x2000, v3;
	v4 =	vand.u32 $0x380, v4  }
0x40: {  	s23 =	simm.s32 $0x0;
	s21 =	sadd.s32 $0x4000, s30;
	[tilespmem:s22+$0x8010] =	vst v2;
	s22 =	simm.s32 $0x0;
	v2 =	vor.u32 v4, v3;
	v3 =	vmov s31  }
.LBB2_7:
0x41: {  	s25 =	sand.u32 $0x380, s23  }
0x42: {  	s26 =	sand.u32 $0x70, s23;
	s25 =	sadd.s32 s25, s21  }
0x43: {  	s25 =	sadd.s32 s26, s25  }
0x44: {  	v4 =	vld [tilespmem:s25+$0x0];
	_ =	sdelay $0x4  }
0x45: {  	v5 =	vshll.u32 v4, $0x3  }
0x46: {  	v5 =	vand.u32 $0xFFFFFC00, v5  }
0x47: {  	v6 =	vand.u32 $0x7F, v4;
	v5 =	vadd.s32 v2, v5  }
0x48: {  	v5 =	vor.u32 v6, v5;
	_ =	sdelay $0x4  }
0x49: {  	v5 =	vld.idx.msk [tilespmem:v5+s3+$0x0], $0xffff;
	_ =	sdelay $0x4  }
0x4a: {  	vm0 =	vgt.f32 v5, $0.0e+00  }
0x4b: {  	v5 =	vsel vm0, $0x1, v0  }
0x4c: {  	(xrf0) =	vadd.scan.msk.s32 $0xffff, v5;
	_ =	sdelay $0x5  }
0x4d: {  	v5, _, _ =	vpop (xrf0)  }
0x4e: {  	v5 =	vadd.s32 s22, v5  }
0x4f: {  	vm1 =	vlt.s32 v5, $0x1F  }
0x50: {  	vm0 =	vmand vm0, vm1  }
0x51: {  	v5 =	vsel vm0, $0x1, v0  }
0x52: {  	(xrf0) =	vadd.scan.msk.s32 $0xffff, v5;
	_ =	sdelay $0x5  }
0x53: {  	v5, _, _ =	vpop (xrf0)  }
0x54: {  	(v2sf) =	vpush v5, $0xF;
	_ =	sdelay $0xe  }
0x55: {  	s31 =	spop (v2sf)  }
0x56: {  	p0 =	sgt.u32 s24, $0x3E;
	[tilespmem:v3+s22+$0x0 ss:$0x1] =	vst.idx.msk vm0, v4;
	s22 =	sadd.s32 s22, s31  }
0x57: {  	p1 =	slt.s32 @!p0 s22, $0x1E  }
0x58: {  	p0 =	por p0, !p1  }
.Ltmp2:
0x59: {  	_ = 	snop;
	(pc) =	sbr.rel @!p0 .LBB2_7-.Ltmp2, $2  }
0x5a: {  	_ =	sdelay $0x2  }
0x5b: {  	s24 =	sadd.s32 $0x1, s24;
	s23 =	sadd.s32 $0x10, s23  }
0x5c: {  	s20 =	sadd.s32 $0x1, s20  }
0x5d: {  	p0 =	sne.s32 s20, $0x10  }
.Ltmp3:
0x5e: {  	_ = 	snop;
	(pc) =	sbr.rel @p0 .LBB2_6-.Ltmp3, $3  }
0x5f: {  	_ =	sdelay $0x1  }
0x60: {  	v2 =	vmov s22  }
0x61: {  	[tilespmem:v1+s13+$0x0] =	vst.idx.msk $0x1, v2  }
0x62: {  	_ =	swait.ge [sflag:s17], $0x8000  }
0x63: {  	[sflag:s17] =	ssyncset.done $0x0  }
0x64: {  	[sflag:s17] =	ssyncadd.s32 $0xFFFF8000  }
0x65: {  	[hbm4b:s7+s3] =	stream.linear.scatter [tilespmem:s16], [sflag:$0x2], $0x8000, $0x38;
	[tilespmem:$0x10300] =	vst v63  }
0x66: {  	_ =	swait.ge [sflag:s11], $0x8000  }
0x67: {  	[sflag:s11] =	ssyncset.done $0x0  }
0x68: {  	[sflag:s11] =	ssyncadd.s32 $0xFFFF8000  }
0x69: {  	[tilespmem:s16], [sflag:$0x1] =	stream.indirect.gather [hbm4b:s1+s14], $0x80, s18, s14, $0xb8;
	[tilespmem:$0x10300] =	vst v63  }
0x6a: {  	_ =	swait.ge [sflag:s17], $0x8000  }
0x6b: {  	[sflag:s17] =	ssyncset.done $0x0  }
0x6c: {  	[sflag:s17] =	ssyncadd.s32 $0xFFFF8000  }
0x6d: {  	[hbm4b:s8+s3] =	stream.linear.scatter [tilespmem:s16], [sflag:$0x2], $0x8000, $0x38;
	[tilespmem:$0x10300] =	vst v63  }
0x6e: {  	s19 =	sadd.s32 $0x1, s19;
	_ =	swait.ge [sflag:s11], $0x8000  }
0x6f: {  	p0 =	sne.s32 s19, s10;
	[sflag:s11] =	ssyncset.done $0x0  }
.Ltmp4:
0x70: {  	[sflag:s11] =	ssyncadd.s32 $0xFFFF8000;
	(pc) =	sbr.rel @p0 .LBB2_1-.Ltmp4, $4  }
0x71: {  	[hbm4b:s9+s3] =	stream.linear.scatter [tilespmem:s13], [sflag:$0x2], $0x10, $0x38;
	[tilespmem:$0x10300] =	vst v63  }
0x72: {  	_ =	swait.ge [sflag:s11], $0x10  }
0x73: {  	[sflag:s11] =	ssyncset.done $0x0  }
0x74: {  	[sflag:s11] =	ssyncadd.s32 $0xFFFFFFF0  }
0x75: {  	_ =	sfence.sel $0x180000  }
0x76: {  	[bflag:$0x0] =	sbarrier.arrive $0xFFFF  }
0x77: {  	p0 =	sne.s32 s2, $0x0;
	_ =	strace $0x9000004D  }
0x78: {  	s0 =	sadd.s32 @!p0 $0x100000, s0;
	[bflag:$0x2] =	sbarrier.arrive $0xFFFF  }
0x79: {  	[sflag:s0] =	ssyncadd.tile.s32 @!p0 $0x1;
	_ =	shalt  }
.Lfunc_end2:
_tile_overlayer_lowered:
.L_overlay_start_2:
0x7a: {  	(tag) =	ssettag $0x2  }
0x7b: {  	s0 =	rddreg [dreg:$0x0];
	s2 =	stileid.u32  }
0x7c: {  	s1 =	rddreg [dreg:$0x1];
	p0 =	sne.s32 s2, $0x0  }
0x7d: {  	s3 =	rddreg [dreg:$0x2];
	[bflag:$0x3] =	sbarrier.arrive $0xFFFF;
	s2 =	simm.s32 @!p0 $0x1C02  }
0x7e: {  	[timem:s3], [sflag:s2] =	dma.local @!p0 [hbm:s0], s1  }
0x7f: {  	s0 =	simm.s32 @!p0 $0x2  }
0x80: {  	_ =	swait.ge @!p0 [sflag:s0], s1  }
0x81: {  	s1 =	ssub.s32 @!p0 $0x0, s1;
	[sflag:s0] =	ssyncset.done @!p0 $0x0  }
0x82: {  	[sflag:s0] =	ssyncadd.s32 @!p0 s1  }
0x83: {  	[bflag:$0x3] =	sbarrier.arrive $0xFFFF  }
0x84: {  	_ =	shalt  }

// kernel: select_gather_h1.3.cloned.1.call-start
scs
__scs_entry_jumppad:
0x0: {  	(pc) =	sbr.rel $0x88, $3  }
0x1: {  	(tag) =	ssettag $0x0;
	lr =	simm.s32 $0x1  }
0x2: {  	[smem:$0x3F9F] =	sst lr;
	_ =	strace $0xD0000000  }
0x3: {  	_ = 	snop  }
0x4: {  	_ = 	snop  }
0x5: {  	_ = 	snop  }
0x6: {  	_ = 	snop  }
0x7: {  	_ = 	snop  }
__scs_overlays_trampoline_lowered:
0x8: {  	[smem:$0x3FAE] =	sst s0  }
0x9: {  	[smem:$0x3FAF] =	sst s1  }
0xa: {  	[smem:$0x3FB0] =	sst s2  }
0xb: {  	[smem:$0x3FB1] =	sst s3  }
0xc: {  	[smem:$0x3FB2] =	sst s4  }
0xd: {  	[smem:$0x3FB3] =	sst s5  }
0xe: {  	[smem:$0x3FB4] =	sst s6  }
0xf: {  	[smem:$0x3FB5] =	sst s7  }
0x10: {  	[smem:$0x3FB6] =	sst s8  }
0x11: {  	[smem:$0x3FB7] =	sst s9;
	s0 =	simm.s32 @!p0 $0x0  }
0x12: {  	s1 =	sld [smem:$0x3F9D];
	s0 =	simm.s32 @p0 $0x1  }
0x13: {  	[smem:$0x3FB8] =	sst s0;
	s0 =	simm.s32 @!p1 $0x0  }
0x14: {  	s2 =	sld [smem:$0x3F9C];
	s0 =	simm.s32 @p1 $0x1  }
0x15: {  	[smem:$0x3FB9] =	sst s0;
	s0 =	simm.s32 @!p2 $0x0  }
0x16: {  	s3 =	sld [smem:$0x3FDB];
	s0 =	simm.s32 @p2 $0x1  }
0x17: {  	s4 =	simm.s32 $0x1BF5;
	[smem:$0x3FBB] =	sst s0  }
0x18: {  	s0 =	sld [smem:$0x3F9E];
	_ =	swait.ge [sflag:s4], $0x0  }
0x19: {  	s7 =	sld [smem:$0x3F9F]  }
0x1a: {  	s8 =	sadd.s32 $0xFFFFE003, lr  }
0x1b: {  	s9 =	sadd.s32 $0xFFFFFEF7, lr;
	s5 =	simm.s32 $0xFFFFFFFF;
	p2 =	slt.u32 s8, $0xFFFFF086  }
0x1c: {  	p1 =	slt.u32 s9, $0xF7A;
	s5 =	simm.s32 @!p2 $0x0  }
0x1d: {  	s5 =	simm.s32 @p1 $0x1;
	p0 =	seq.s32 s7, s2  }
0x1e: {  	s7 =	smul.u32 @!p0 $0xF7A, s2;
	p2 =	seq.s32 @!p0 s5, $0x0  }
0x1f: {  	s9 =	smul.u32 $0xF7A, s1;
	s8 =	simm.s32 @!p0 $0x1BF5;
	p2 =	por !p2, p0  }
0x20: {  	[sflag:s8] =	ssyncset.s32 @!p0 $0xFFFFF086;
	s6 =	sadd.s32 @!p0 s3, s7;
	s7 =	simm.s32 @!p0 $0x108  }
0x21: {  	s3 =	sadd.s32 s3, s9;
	s6 =	sadd.s32 @!p0 $0x88, s6;
	s7 =	simm.s32 @p2 $0x1082  }
0x22: {  	[simem:s7], [sflag:s8] =	dma.local @!p0 [hbm:s6], $0xF7A  }
0x23: {  	s9 =	sor.u32 $0xD0000000, s2;
	s6 =	simm.s32 $0x108;
	_ =	swait.ge @!p0 [sflag:s8], $0x0  }
0x24: {  	s3 =	sadd.s32 $0x88, s3;
	s6 =	simm.s32 @!p1 $0x1082;
	[sflag:s4] =	ssyncset.s32 $0xFFFFF086  }
0x25: {  	[simem:s6], [sflag:s4] =	dma.local [hbm:s3], $0xF7A  }
0x26: {  	[smem:$0x3F9F] =	sst s1;
	(tag) =	ssettag s2;
	_ =	strace s9  }
0x27: {  	s1 =	sld [smem:$0x3FAF]  }
0x28: {  	s2 =	sld [smem:$0x3FB0]  }
0x29: {  	s4 =	sld [smem:$0x3FB2]  }
0x2a: {  	p0 =	seq.s32 s5, $0x0;
	s5 =	sld [smem:$0x3FB3]  }
0x2b: {  	s6 =	sld [smem:$0x3FB4]  }
0x2c: {  	s7 =	sld [smem:$0x3FB5]  }
0x2d: {  	s3 =	simm.s32 $0x108;
	s8 =	sld [smem:$0x3FB6]  }
0x2e: {  	s3 =	simm.s32 @!p0 $0x1082;
	s9 =	sld [smem:$0x3FB7]  }
0x2f: {  	lr =	sadd.s32 s0, s3;
	s0 =	sld [smem:$0x3FAE]  }
0x30: {  	s3 =	sld [smem:$0x3FB1]  }
0x31: {  	[smem:$0x3FBA] =	sst s10  }
0x32: {  	s10 =	sld [smem:$0x3FB8];
	_ =	sdelay $0x3  }
0x33: {  	p0 =	seq.s32 s10, $0x1;
	s10 =	sld [smem:$0x3FBA];
	_ =	sdelay $0x3  }
0x34: {  	[smem:$0x3FBA] =	sst s10  }
0x35: {  	s10 =	sld [smem:$0x3FB9];
	_ =	sdelay $0x3  }
0x36: {  	p1 =	seq.s32 s10, $0x1;
	s10 =	sld [smem:$0x3FBA];
	_ =	sdelay $0x3  }
0x37: {  	[smem:$0x3FBA] =	sst s10  }
0x38: {  	s10 =	sld [smem:$0x3FBB]  }
0x39: {  	_ = 	snop;
	(pc) =	sbr.ind lr, $3  }
0x3a: {  	_ = 	snop  }
0x3b: {  	_ = 	snop  }
0x3c: {  	p2 =	seq.s32 s10, $0x1;
	s10 =	sld [smem:$0x3FBA]  }
0x3d: {  	_ =	shalt  }
0x3e: {  	_ =	shalt  }
0x3f: {  	_ =	shalt  }
0x40: {  	_ =	shalt  }
0x41: {  	_ =	shalt  }
0x42: {  	_ =	shalt  }
0x43: {  	_ =	shalt  }
0x44: {  	_ =	shalt  }
0x45: {  	_ =	shalt  }
0x46: {  	_ =	shalt  }
0x47: {  	_ =	shalt  }
0x48: {  	_ =	shalt  }
0x49: {  	_ =	shalt  }
0x4a: {  	_ =	shalt  }
0x4b: {  	_ =	shalt  }
0x4c: {  	_ =	shalt  }
0x4d: {  	_ =	shalt  }
0x4e: {  	_ =	shalt  }
0x4f: {  	_ =	shalt  }
0x50: {  	_ =	shalt  }
0x51: {  	_ =	shalt  }
0x52: {  	_ =	shalt  }
0x53: {  	_ =	shalt  }
0x54: {  	_ =	shalt  }
0x55: {  	_ =	shalt  }
0x56: {  	_ =	shalt  }
0x57: {  	_ =	shalt  }
0x58: {  	_ =	shalt  }
0x59: {  	_ =	shalt  }
0x5a: {  	_ =	shalt  }
0x5b: {  	_ =	shalt  }
0x5c: {  	_ =	shalt  }
0x5d: {  	_ =	shalt  }
0x5e: {  	_ =	shalt  }
0x5f: {  	_ =	shalt  }
0x60: {  	_ =	shalt  }
0x61: {  	_ =	shalt  }
0x62: {  	_ =	shalt  }
0x63: {  	_ =	shalt  }
0x64: {  	_ =	shalt  }
0x65: {  	_ =	shalt  }
0x66: {  	_ =	shalt  }
0x67: {  	_ =	shalt  }
0x68: {  	_ =	shalt  }
0x69: {  	_ =	shalt  }
0x6a: {  	_ =	shalt  }
0x6b: {  	_ =	shalt  }
0x6c: {  	_ =	shalt  }
0x6d: {  	_ =	shalt  }
0x6e: {  	_ =	shalt  }
0x6f: {  	_ =	shalt  }
0x70: {  	_ =	shalt  }
0x71: {  	_ =	shalt  }
0x72: {  	_ =	shalt  }
0x73: {  	_ =	shalt  }
0x74: {  	_ =	shalt  }
0x75: {  	_ =	shalt  }
0x76: {  	_ =	shalt  }
0x77: {  	_ =	shalt  }
0x78: {  	_ =	shalt  }
0x79: {  	_ =	shalt  }
0x7a: {  	_ =	shalt  }
0x7b: {  	_ =	shalt  }
0x7c: {  	_ =	shalt  }
0x7d: {  	_ =	shalt  }
0x7e: {  	_ =	shalt  }
0x7f: {  	_ =	shalt  }
0x80: {  	_ =	shalt  }
0x81: {  	_ =	shalt  }
0x82: {  	_ =	shalt  }
0x83: {  	_ =	shalt  }
0x84: {  	_ =	shalt  }
0x85: {  	_ =	shalt  }
0x86: {  	_ =	shalt  }
0x87: {  	_ =	shalt  }
.Lfunc_end0:
.L_simem_size_0:
called_computation.2_lowered:
.L_overlay_start_0:
0x88: {  	s2 =	sld [smem:$0x3FD9]  }
0x89: {  	s3 =	sld [smem:$0x3FFE];
	_ =	sdelay $0x1  }
0x8a: {  	s1 =	srdreg.scid  }
0x8b: {  	s0 =	sand.u32 $0x1, s1  }
0x8c: {  	s17 =	sshll.u32 s0, $0xA;
	s2 =	sadd.s32 s3, s2  }
0x8d: {  	s2 =	sadd.s32 s2, s17  }
0x8e: {  	[smem:$0x3FC6] =	sst s2  }
0x8f: {  	_ = 	snop  }
0x90: {  	s2 =	sld [smem:$0x3FC9];
	(tm) =	ssettm $0x1  }
0x91: {  	s18 =	sld [smem:$0x3FFB];
	_ =	sdelay $0x3  }
0x92: {  	_ =	strace s18  }
0x93: {  	s3 =	sld [smem:$0x3FFC];
	_ =	sdelay $0x3  }
0x94: {  	_ =	strace s3  }
0x95: {  	s3 =	sld [smem:$0x3FFD];
	_ =	sdelay $0x3  }
0x96: {  	_ =	strace s3  }
0x97: {  	_ =	strace $0x8FFFFFFF  }
0x98: {  	s19 =	sld [smem:$0x3FDB];
	_ =	sdelay $0x1  }
0x99: {  	s4 =	simm.s32 $_scs_section_size  }
0x9a: {  	s5 =	simm.s32 $_size__tile_overlayer_lowered;
	s6 =	simm.s32 $_tile_overlayer_lowered  }
0x9b: {  	s22 =	simm.s32 $0x1BFF;
	s21 =	sshll.u32 s6, $0x1;
	s3 =	sadd.s32 s4, s19  }
0x9c: {  	s7 =	simm.s32 $0x0;
	s20 =	sshll.u32 s5, $0x1;
	s5 =	sadd.s32 s21, s3  }
0x9d: {  	[timem:s7], [sflag:s22] =	dma.local [hbm:s5], s20  }
0x9e: {  	_ =	swait.ge [sflag:s22], s20  }
0x9f: {  	s4 =	ssub.s32 $0x0, s20;
	[sflag:s22] =	ssyncset.done $0x0  }
0xa0: {  	[sflag:s22] =	ssyncadd.s32 s4;
	_ =	sdelay $0x1  }
0xa1: {  	s23 =	simm.s32 $0x1B8B  }
0xa2: {  	_ =	swait.ge [sflag:s23], $0x1  }
0xa3: {  	[sflag:s23] =	ssyncset.done $0x0  }
0xa4: {  	s25 =	simm.s32 $0x1B8E;
	s24 =	sld [smem:$0x3FFE];
	[sflag:s23] =	ssyncadd.s32 $0xFFFFFFFF  }
0xa5: {  	s26 =	simm.s32 $execute0_lowered;
	[smem:$0x3FD2] =	sst s25  }
0xa6: {  	s5 =	sshll.u32 s26, $0x1;
	_ =	strace $0x80000049;
	[dreg:$0x1] =	wrdreg $0xFFFFFFFF  }
0xa7: {  	s28 =	simm.s32 $_size_execute0_lowered;
	s3 =	sadd.s32 s3, s5;
	[dreg:$0x0] =	wrdreg $0x0  }
0xa8: {  	s5 =	sshll.u32 s28, $0x1;
	[dreg:$0x2] =	wrdreg s3  }
0xa9: {  	[dreg:$0x3] =	wrdreg s5  }
0xaa: {  	[dreg:$0x4] =	wrdreg $0xC0  }
0xab: {  	_ =	task [dreg:s7], $0x5FFFF  }
0xac: {  	[dreg:$0x1] =	wrdreg $0xFFFFFFFF  }
0xad: {  	[dreg:$0x0] =	wrdreg $0x60  }
0xae: {  	[dreg:$0x2] =	wrdreg s24  }
0xaf: {  	[dreg:$0x3] =	wrdreg s2  }
0xb0: {  	[dreg:$0x4] =	wrdreg $0xA  }
0xb1: {  	_ =	task.clear_ibuf [dreg:s7], $0x5FFFF;
	_ =	strace $0x90000049  }
0xb2: {  	s29 =	simm.s32 $0xA;
	_ =	strace $0x8000004B  }
0xb3: {  	_ =	swait.ge [sflag:s29], $0x1  }
0xb4: {  	[sflag:s29] =	ssyncadd.s32 $0xFFFFFFFF  }
0xb5: {  	_ =	strace $0x9000004B  }
0xb6: {  	_ =	sfence  }
0xb7: {  	s30 =	sld [smem:$0x0];
	_ =	sdelay $0x2  }
0xb8: {  	s31 =	sshll.u32 s1, $0xD;
	s1 =	sshrl.u32 s1, $0x2  }
0xb9: {  	s3 =	sand.u32 $0x4000, s31;
	s1 =	sadd.s32 s1, s30  }
0xba: {  	s0 =	sor.u32 s3, s0;
	s1 =	sshll.u32 s1, $0x11  }
0xbb: {  	s0 =	sor.u32 s1, s0  }
0xbc: {  	s0 =	sadd.s32 $0x8F2B, s0  }
0xbd: {  	[sflag:s0] =	ssyncadd.remote.s32 $0x1  }
0xbe: {  	_ =	sfence.sel $0xFFFF  }
0xbf: {  	[dreg:$0x0] =	wrdreg $0xFFFFFFFF;
	(pc) =	sbr.abs _section_cstart, $3  }
0xc0: {  	[dreg:$0x1] =	wrdreg $0xFFFFFFFF  }
0xc1: {  	_ =	task.clear_ibuf [dreg:s7], $0x2FFFF;
	_ =	strace $0x9FFFFFFF  }
0xc2: {  	(tm) =	ssettm $0x7FFFFFFF  }
0xc3: {  	_ =	shalt  }
tec
execute0_lowered:
.L_overlay_start_1:
0x0: {  	(tag) =	ssettag $0x1  }
0x1: {  	s1 =	srdreg.scid;
	s6 =	rddreg [dreg:$0x0]  }
0x2: {  	s0 =	stileid.u32;
	s2 =	rddreg [dreg:$0x1]  }
0x3: {  	s3 =	simm.s32 $0x0;
	s12 =	simm.s32 $0x4000;
	s13 =	simm.s32 $0x8280  }
0x4: {  	s14 =	simm.s32 $0x100;
	s15 =	simm.s32 $0x8000;
	s16 =	simm.s32 $0x8300  }
0x5: {  	s17 =	simm.s32 $0x1;
	s18 =	simm.s32 $0x8100;
	s19 =	simm.s32 $0x0  }
0x6: {  	s5 =	sand.u32 $0x1, s1;
	s31 =	sshll.u32 s0, $0x1;
	[smem:$0x7FF] =	sst s3  }
0x7: {  	s1 =	rddreg [dreg:$0x2];
	s7 =	sor.u32 s5, s31;
	_ =	strace $0x8000004A  }
0x8: {  	s5 =	ssub.s32 $0x2, s5;
	s4 =	sshll.u32 s7, $0x4;
	s9 =	sshll.u32 s7, $0xD  }
0x9: {  	s7 =	sshll.u32 s7, $0x1;
	s10 =	sshrl.u32 s5, $0x1;
	s4 =	sor.u32 $0x200, s4  }
0xa: {  	s9 =	sadd.s32 s9, s6;
	s11 =	sadd.s32 s7, s6;
	s8 =	sshll.u32 s4, $0x7  }
0xb: {  	s10 =	ssub.s32 s5, s10;
	s7 =	sadd.s32 $0x62000, s9;
	s8 =	sadd.s32 s8, s6  }
0xc: {  	s10 =	smax.u32 s10, $0x1;
	s5 =	sadd.s32 $0x1E00, s8;
	s6 =	sadd.s32 $0x41E00, s8  }
0xd: {  	v0 =	vimm.s32 $0x0;
	s8 =	sadd.s32 $0x63000, s9;
	s9 =	sadd.s32 $0x61E00, s11;
	s11 =	simm.s32 $0x2  }
.LBB2_1:
0xe: {  	[tilespmem:s3], [sflag:$0x2] =	stream.linear.gather [hbm4b:s5+s3], $0x4000, $0x38;
	[tilespmem:$0x10300] =	vst v63  }
0xf: {  	_ =	swait.ge [sflag:s11], $0x4000  }
0x10: {  	[sflag:s11] =	ssyncset.done $0x0  }
0x11: {  	[sflag:s11] =	ssyncadd.s32 $0xFFFFC000  }
0x12: {  	[tilespmem:s12], [sflag:$0x2] =	stream.linear.gather [hbm4b:s6+s3], $0x4000, $0x38;
	[tilespmem:$0x10300] =	vst v63  }
0x13: {  	_ =	swait.ge [sflag:s11], $0x4000  }
0x14: {  	[sflag:s11] =	ssyncset.done $0x0  }
0x15: {  	s20 =	simm.s32 $0x0;
	[sflag:s11] =	ssyncadd.s32 $0xFFFFC000  }
.LBB2_2:
0x16: {  	s21 =	sor.u32 s4, s20;
	s22 =	sshll.u32 s20, $0x5;
	v1 =	vmov s20  }
0x17: {  	s23 =	sshll.u32 s20, $0xA;
	v2 =	vmov s21;
	s22 =	sand.u32 $0x3FFFFFE0, s22;
	v3 =	vshll.u32 v1, $0x7  }
0x18: {  	s24 =	simm.s32 $0x0;
	s30 =	sand.u32 $0x3FFFFC00, s23;
	s31 =	sadd.s32 $0x8000, s22;
	[tilespmem:s22+$0x8000] =	vst v2;
	v3 =	vand.u32 $0x380, v3  }
0x19: {  	s23 =	simm.s32 $0x0;
	s21 =	sadd.s32 $0x4000, s30;
	[tilespmem:s22+$0x8010] =	vst v2;
	s22 =	simm.s32 $0x0;
	v2 =	vbroadcast v3, $0x0;
	v3 =	vmov s31  }
.LBB2_3:
0x1a: {  	s25 =	sand.u32 $0x380, s23  }
0x1b: {  	s26 =	sand.u32 $0x70, s23;
	s25 =	sadd.s32 s25, s21  }
0x1c: {  	s25 =	sadd.s32 s26, s25  }
0x1d: {  	v4 =	vld [tilespmem:s25+$0x0];
	_ =	sdelay $0x4  }
0x1e: {  	v5 =	vand.u32 $0x7F, v4;
	v6 =	vshll.u32 v4, $0x3  }
0x1f: {  	v6 =	vand.u32 $0xFFFFFC00, v6;
	v5 =	vor.u32 v2, v5  }
0x20: {  	v5 =	vor.u32 v6, v5;
	_ =	sdelay $0x4  }
0x21: {  	v5 =	vld.idx.msk [tilespmem:v5+s3+$0x0], $0xffff;
	_ =	sdelay $0x4  }
0x22: {  	vm0 =	vgt.f32 v5, $0.0e+00  }
0x23: {  	v5 =	vsel vm0, $0x1, v0  }
0x24: {  	(xrf0) =	vadd.scan.msk.s32 $0xffff, v5;
	_ =	sdelay $0x5  }
0x25: {  	v5, _, _ =	vpop (xrf0)  }
0x26: {  	v5 =	vadd.s32 s22, v5  }
0x27: {  	vm1 =	vlt.s32 v5, $0x1F  }
0x28: {  	vm0 =	vmand vm0, vm1  }
0x29: {  	v5 =	vsel vm0, $0x1, v0  }
0x2a: {  	(xrf0) =	vadd.scan.msk.s32 $0xffff, v5;
	_ =	sdelay $0x5  }
0x2b: {  	v5, _, _ =	vpop (xrf0)  }
0x2c: {  	(v2sf) =	vpush v5, $0xF;
	_ =	sdelay $0xe  }
0x2d: {  	s31 =	spop (v2sf)  }
0x2e: {  	p0 =	sgt.u32 s24, $0x3E;
	[tilespmem:v3+s22+$0x0 ss:$0x1] =	vst.idx.msk vm0, v4;
	s22 =	sadd.s32 s22, s31  }
0x2f: {  	p1 =	slt.s32 @!p0 s22, $0x1E  }
0x30: {  	p0 =	por p0, !p1  }
.Ltmp0:
0x31: {  	_ = 	snop;
	(pc) =	sbr.rel @!p0 .LBB2_3-.Ltmp0, $2  }
0x32: {  	_ =	sdelay $0x2  }
0x33: {  	s24 =	sadd.s32 $0x1, s24;
	s23 =	sadd.s32 $0x10, s23  }
0x34: {  	v1 =	vbroadcast v1, $0x0;
	s20 =	sadd.s32 $0x1, s20  }
0x35: {  	p0 =	sne.s32 s20, $0x8  }
.Ltmp1:
0x36: {  	_ = 	snop;
	(pc) =	sbr.rel @p0 .LBB2_2-.Ltmp1, $3  }
0x37: {  	_ =	sdelay $0x1  }
0x38: {  	v2 =	vmov s22  }
0x39: {  	[tilespmem:v1+s13+$0x0] =	vst.idx.msk $0x1, v2  }
0x3a: {  	[tilespmem:s16], [sflag:$0x1] =	stream.indirect.gather [hbm4b:s2+s14], $0x80, s15, s14, $0xb8;
	[tilespmem:$0x10300] =	vst v63  }
0x3b: {  	s20 =	simm.s32 $0x8  }
.LBB2_6:
0x3c: {  	s21 =	sor.u32 s4, s20;
	s22 =	sshll.u32 s20, $0x5;
	v1 =	vmov s20  }
0x3d: {  	s23 =	sshll.u32 s20, $0xA;
	v2 =	vmov s21;
	s22 =	sand.u32 $0x3FFFFFE0, s22;
	v3 =	vshll.u32 v1, $0xA;
	v4 =	vshll.u32 v1, $0x7  }
0x3e: {  	s24 =	simm.s32 $0x0;
	s30 =	sand.u32 $0x3FFFFC00, s23;
	s31 =	sadd.s32 $0x8000, s22;
	[tilespmem:s22+$0x8000] =	vst v2;
	v3 =	vand.u32 $0x2000, v3;
	v4 =	vand.u32 $0x380, v4  }
0x3f: {  	s23 =	simm.s32 $0x0;
	s21 =	sadd.s32 $0x4000, s30;
	[tilespmem:s22+$0x8010] =	vst v2;
	s22 =	simm.s32 $0x0;
	v2 =	vor.u32 v4, v3;
	v3 =	vmov s31  }
.LBB2_7:
0x40: {  	s25 =	sand.u32 $0x380, s23  }
0x41: {  	s26 =	sand.u32 $0x70, s23;
	s25 =	sadd.s32 s25, s21  }
0x42: {  	s25 =	sadd.s32 s26, s25  }
0x43: {  	v4 =	vld [tilespmem:s25+$0x0];
	_ =	sdelay $0x4  }
0x44: {  	v5 =	vshll.u32 v4, $0x3  }
0x45: {  	v5 =	vand.u32 $0xFFFFFC00, v5  }
0x46: {  	v6 =	vand.u32 $0x7F, v4;
	v5 =	vadd.s32 v2, v5  }
0x47: {  	v5 =	vor.u32 v6, v5;
	_ =	sdelay $0x4  }
0x48: {  	v5 =	vld.idx.msk [tilespmem:v5+s3+$0x0], $0xffff;
	_ =	sdelay $0x4  }
0x49: {  	vm0 =	vgt.f32 v5, $0.0e+00  }
0x4a: {  	v5 =	vsel vm0, $0x1, v0  }
0x4b: {  	(xrf0) =	vadd.scan.msk.s32 $0xffff, v5;
	_ =	sdelay $0x5  }
0x4c: {  	v5, _, _ =	vpop (xrf0)  }
0x4d: {  	v5 =	vadd.s32 s22, v5  }
0x4e: {  	vm1 =	vlt.s32 v5, $0x1F  }
0x4f: {  	vm0 =	vmand vm0, vm1  }
0x50: {  	v5 =	vsel vm0, $0x1, v0  }
0x51: {  	(xrf0) =	vadd.scan.msk.s32 $0xffff, v5;
	_ =	sdelay $0x5  }
0x52: {  	v5, _, _ =	vpop (xrf0)  }
0x53: {  	(v2sf) =	vpush v5, $0xF;
	_ =	sdelay $0xe  }
0x54: {  	s31 =	spop (v2sf)  }
0x55: {  	p0 =	sgt.u32 s24, $0x3E;
	[tilespmem:v3+s22+$0x0 ss:$0x1] =	vst.idx.msk vm0, v4;
	s22 =	sadd.s32 s22, s31  }
0x56: {  	p1 =	slt.s32 @!p0 s22, $0x1E  }
0x57: {  	p0 =	por p0, !p1  }
.Ltmp2:
0x58: {  	_ = 	snop;
	(pc) =	sbr.rel @!p0 .LBB2_7-.Ltmp2, $2  }
0x59: {  	_ =	sdelay $0x2  }
0x5a: {  	s24 =	sadd.s32 $0x1, s24;
	s23 =	sadd.s32 $0x10, s23  }
0x5b: {  	s20 =	sadd.s32 $0x1, s20  }
0x5c: {  	p0 =	sne.s32 s20, $0x10  }
.Ltmp3:
0x5d: {  	_ = 	snop;
	(pc) =	sbr.rel @p0 .LBB2_6-.Ltmp3, $3  }
0x5e: {  	_ =	sdelay $0x1  }
0x5f: {  	v2 =	vmov s22  }
0x60: {  	[tilespmem:v1+s13+$0x0] =	vst.idx.msk $0x1, v2  }
0x61: {  	_ =	swait.ge [sflag:s17], $0x8000  }
0x62: {  	[sflag:s17] =	ssyncset.done $0x0  }
0x63: {  	[sflag:s17] =	ssyncadd.s32 $0xFFFF8000  }
0x64: {  	[hbm4b:s7+s3] =	stream.linear.scatter [tilespmem:s16], [sflag:$0x2], $0x8000, $0x38;
	[tilespmem:$0x10300] =	vst v63  }
0x65: {  	_ =	swait.ge [sflag:s11], $0x8000  }
0x66: {  	[sflag:s11] =	ssyncset.done $0x0  }
0x67: {  	[sflag:s11] =	ssyncadd.s32 $0xFFFF8000  }
0x68: {  	[tilespmem:s16], [sflag:$0x1] =	stream.indirect.gather [hbm4b:s2+s14], $0x80, s18, s14, $0xb8;
	[tilespmem:$0x10300] =	vst v63  }
0x69: {  	_ =	swait.ge [sflag:s17], $0x8000  }
0x6a: {  	[sflag:s17] =	ssyncset.done $0x0  }
0x6b: {  	[sflag:s17] =	ssyncadd.s32 $0xFFFF8000  }
0x6c: {  	[hbm4b:s8+s3] =	stream.linear.scatter [tilespmem:s16], [sflag:$0x2], $0x8000, $0x38;
	[tilespmem:$0x10300] =	vst v63  }
0x6d: {  	s19 =	sadd.s32 $0x1, s19;
	_ =	swait.ge [sflag:s11], $0x8000  }
0x6e: {  	p0 =	sne.s32 s19, s10;
	[sflag:s11] =	ssyncset.done $0x0  }
.Ltmp4:
0x6f: {  	[sflag:s11] =	ssyncadd.s32 $0xFFFF8000;
	(pc) =	sbr.rel @p0 .LBB2_1-.Ltmp4, $4  }
0x70: {  	[hbm4b:s9+s3] =	stream.linear.scatter [tilespmem:s13], [sflag:$0x2], $0x10, $0x38;
	[tilespmem:$0x10300] =	vst v63  }
0x71: {  	_ =	swait.ge [sflag:s11], $0x10  }
0x72: {  	[sflag:s11] =	ssyncset.done $0x0  }
0x73: {  	[sflag:s11] =	ssyncadd.s32 $0xFFFFFFF0  }
0x74: {  	_ =	sfence.sel $0x180000  }
0x75: {  	[bflag:$0x0] =	sbarrier.arrive $0xFFFF  }
0x76: {  	p0 =	sne.s32 s0, $0x0;
	_ =	strace $0x9000004A  }
0x77: {  	s0 =	sadd.s32 @!p0 $0x100000, s1;
	[bflag:$0x2] =	sbarrier.arrive $0xFFFF  }
0x78: {  	[sflag:s0] =	ssyncadd.tile.s32 @!p0 $0x1;
	_ =	shalt  }
.Lfunc_end2:
_tile_overlayer_lowered:
.L_overlay_start_2:
0x79: {  	(tag) =	ssettag $0x2  }
0x7a: {  	s0 =	rddreg [dreg:$0x0];
	s2 =	stileid.u32  }
0x7b: {  	s1 =	rddreg [dreg:$0x1];
	p0 =	sne.s32 s2, $0x0  }
0x7c: {  	s3 =	rddreg [dreg:$0x2];
	[bflag:$0x3] =	sbarrier.arrive $0xFFFF;
	s2 =	simm.s32 @!p0 $0x1C02  }
0x7d: {  	[timem:s3], [sflag:s2] =	dma.local @!p0 [hbm:s0], s1  }
0x7e: {  	s0 =	simm.s32 @!p0 $0x2  }
0x7f: {  	_ =	swait.ge @!p0 [sflag:s0], s1  }
0x80: {  	s1 =	ssub.s32 @!p0 $0x0, s1;
	[sflag:s0] =	ssyncset.done @!p0 $0x0  }
0x81: {  	[sflag:s0] =	ssyncadd.s32 @!p0 s1  }
0x82: {  	[bflag:$0x3] =	sbarrier.arrive $0xFFFF  }
0x83: {  	_ =	shalt  }

</sc_bundles>
